<compile_context>
chip_gen: v7x
topology: tpu7x:2x2x1
jax: 0.10.2.dev20260603
libtpu: 0.0.44.dev20260713+nightly
codegen_flags: <defaults>
</compile_context>

<pallas_src>
import functools

import jax
import jax.numpy as jnp
from jax import lax
from jax.experimental import pallas as pl
from jax.experimental.pallas import tpu as pltpu
from jax.experimental.pallas import tpu_sc as plsc

BATCH = 4096
SEQ = 50
SEQP = 56
SEQF = 48
D = 512
NC = 2
NS = 16
NW = NC * NS
ROWS_W = BATCH // NW
NBUF = 4


def _make_emb():
    mesh = plsc.VectorSubcoreMesh(core_axis_name="c", subcore_axis_name="s")

    @functools.partial(
        pl.kernel,
        mesh=mesh,
        out_type=jax.ShapeDtypeStruct((BATCH, SEQP, D), jnp.float32),
        scratch_types=[
            pltpu.VMEM((ROWS_W * SEQP,), jnp.int32),
        ]
        + [pltpu.VMEM((SEQP, D), jnp.float32) for _ in range(NBUF)]
        + [pltpu.SemaphoreType.DMA for _ in range(2 * NBUF)],
    )
    def emb(table_hbm, idx_hbm, out_hbm, idx_v, *bufs_and_sems):
        bufs = bufs_and_sems[:NBUF]
        gsem = bufs_and_sems[NBUF : 2 * NBUF]
        ssem = bufs_and_sems[2 * NBUF : 3 * NBUF]

        wid = lax.axis_index("s") * NC + lax.axis_index("c")
        base = wid * ROWS_W
        pltpu.sync_copy(idx_hbm.at[pl.ds(base * SEQP, ROWS_W * SEQP)], idx_v)

        def g_copy(c, b):
            return pltpu.make_async_copy(
                table_hbm.at[idx_v.at[pl.ds(c * SEQP, SEQP)]], bufs[b], gsem[b])

        def s_copies(c, b):
            return (
                pltpu.make_async_copy(
                    bufs[b].at[pl.ds(0, SEQF)],
                    out_hbm.at[base + c, pl.ds(0, SEQF)],
                    ssem[b]),
                pltpu.make_async_copy(
                    bufs[b].at[pl.ds(SEQF, SEQ - SEQF)],
                    out_hbm.at[base + c, pl.ds(SEQF, SEQ - SEQF)],
                    ssem[b]),
            )

        def s_start(c, b):
            for cp in s_copies(c, b):
                cp.start()

        def s_wait(c, b):
            for cp in s_copies(c, b):
                cp.wait()

        g_copy(0, 0).start()

        def blk(i, carry):
            for b in range(NBUF):
                c = i * NBUF + b
                bn = (b + 1) % NBUF
                @pl.when(c >= NBUF - 1)
                def _():
                    s_wait(c - NBUF + 1, bn)

                @pl.when(c + 1 < ROWS_W)
                def _():
                    g_copy(c + 1, bn).start()

                g_copy(c, b).wait()
                s_start(c, b)
            return carry

        lax.fori_loop(0, ROWS_W // NBUF, blk, 0)
        for c in range(ROWS_W - NBUF + 1, ROWS_W):
            s_wait(c, c % NBUF)

    return emb


_emb = _make_emb()


def kernel(x, table):
    xi = x.astype(jnp.int32)
    xp = jnp.pad(xi, ((0, 0), (0, SEQP - SEQ)), mode="edge")
    out = _emb(table, xp.reshape(-1))
    return out[:, :SEQ, :]

# --- scband reference (transcript-rebuilt; emitter-appended) ---
"""Pipeline reference for scband-embedder-32478542692472 (READ-ONLY COPY).

The authoritative reference and input builder live on the scoring server;
editing this copy changes nothing except your own understanding.
"""

import jax, jax.numpy as jnp
import numpy as np

VOCAB = 100000
D_MODEL = 512

def setup_inputs(seed: int = 0) -> dict:
    key = jax.random.key(seed)
    k_idx, k_tab = jax.random.split(key)
    x = jax.random.randint(k_idx, (4096, 50), 0, VOCAB, dtype=jnp.int64)
    # nn.Embedding default init: N(0, 1)
    table = jax.random.normal(k_tab, (VOCAB, D_MODEL), dtype=jnp.float32)
    return {"x": x, "table": table}

def reference(x, table):
    # Embedder.forward: self.embed(x) -> row gather from the embedding table
    return jnp.take(table, x, axis=0)

if __name__ == "__main__":
    import jax
    _d = setup_inputs()
    print(jax.jit(kernel)(*tuple(_d.values())))

</pallas_src>

<mosaic_0001>
#map = affine_map<(d0, d1) -> (0, 0)>
#map1 = affine_map<(d0, d1) -> (0)>
#map2 = affine_map<(d0, d1) -> (0, 0, 0)>
module attributes {stable_mosaic.version = 14 : i64} {
  func.func @emb(%arg0: i32, %arg1: i32, %arg2: memref<100000x512xf32, #tpu.memory_space<hbm>>, %arg3: memref<229376xi32, #tpu.memory_space<hbm>>, %arg4: memref<4096x56x512xf32, #tpu.memory_space<hbm>>, %arg5: memref<7168xi32, #tpu.memory_space<vmem>>, %arg6: memref<56x512xf32, #tpu.memory_space<vmem>>, %arg7: memref<56x512xf32, #tpu.memory_space<vmem>>, %arg8: memref<56x512xf32, #tpu.memory_space<vmem>>, %arg9: memref<56x512xf32, #tpu.memory_space<vmem>>, %arg10: memref<!tpu.dma_semaphore, #tpu.memory_space<semaphore_mem>>, %arg11: memref<!tpu.dma_semaphore, #tpu.memory_space<semaphore_mem>>, %arg12: memref<!tpu.dma_semaphore, #tpu.memory_space<semaphore_mem>>, %arg13: memref<!tpu.dma_semaphore, #tpu.memory_space<semaphore_mem>>, %arg14: memref<!tpu.dma_semaphore, #tpu.memory_space<semaphore_mem>>, %arg15: memref<!tpu.dma_semaphore, #tpu.memory_space<semaphore_mem>>, %arg16: memref<!tpu.dma_semaphore, #tpu.memory_space<semaphore_mem>>, %arg17: memref<!tpu.dma_semaphore, #tpu.memory_space<semaphore_mem>>) attributes {dimension_semantics = [#tpu.dimension_semantics<core_parallel>, #tpu.dimension_semantics<subcore_parallel>], iteration_bounds = array<i64: 2, 16>, scalar_prefetch = 0 : i64, scratch_operands = 13 : i64, tpu.core_type = #tpu.core_type<sc_vector_subcore>, window_params = [{transform_indices = #map}, {transform_indices = #map1}, {transform_indices = #map2}]} {
    %mul3A = arith.constant 2 : i32
    %mul3A_0 = arith.muli %arg1, %mul3A : i32
    %add3A = arith.addi %mul3A_0, %arg0 : i32
    %mul3A_1 = arith.constant 128 : i32
    %mul3A_2 = arith.muli %add3A, %mul3A_1 : i32
    %mul3A_3 = arith.constant 56 : i32
    %mul3A_4 = arith.muli %mul3A_2, %mul3A_3 : i32
    "tpu.region"() ({
      %run_scoped3A = tpu.sem_alloc : memref<!tpu.dma_semaphore, #tpu.memory_space<semaphore_mem>>
      %dma_start3A_109 = tpu.memref_slice %arg3[%mul3A_4] : memref<229376xi32, #tpu.memory_space<hbm>> -> memref<7168xi32, #tpu.memory_space<hbm>>
      %dma_start3A_110 = tpu.memref_slice %arg3[%mul3A_4] : memref<229376xi32, #tpu.memory_space<hbm>> -> memref<7168xi32, #tpu.memory_space<hbm>>
      tpu.enqueue_dma source(%dma_start3A_110 : memref<7168xi32, #tpu.memory_space<hbm>>) target(%arg5 : memref<7168xi32, #tpu.memory_space<vmem>>) target_semaphore(%run_scoped3A : memref<!tpu.dma_semaphore, #tpu.memory_space<semaphore_mem>>)
      %dma_wait3A_111 = tpu.memref_slice %arg3[%mul3A_4] : memref<229376xi32, #tpu.memory_space<hbm>> -> memref<7168xi32, #tpu.memory_space<hbm>>
      %dma_wait3A_112 = tpu.memref_slice %arg3[%mul3A_4] : memref<229376xi32, #tpu.memory_space<hbm>> -> memref<7168xi32, #tpu.memory_space<hbm>>
      tpu.wait_dma2 semaphore(%run_scoped3A : memref<!tpu.dma_semaphore, #tpu.memory_space<semaphore_mem>>) src(%dma_wait3A_112 : memref<7168xi32, #tpu.memory_space<hbm>>) dst(%arg5 : memref<7168xi32, #tpu.memory_space<vmem>>)
      tpu.yield
    }) : () -> ()
    %dma_start3A = arith.constant 0 : i32
    %dma_start3A_5 = tpu.memref_slice %arg5[%dma_start3A] : memref<7168xi32, #tpu.memory_space<vmem>> -> memref<56xi32, #tpu.memory_space<vmem>>
    %dma_start3A_6 = arith.constant 0 : i32
    %dma_start3A_7 = arith.constant 0 : i32
    %dma_start3A_8 = tpu.memref_slice %arg2[%dma_start3A_6, %dma_start3A_7] : memref<100000x512xf32, #tpu.memory_space<hbm>> -> memref<100000x512xf32, #tpu.memory_space<hbm>>
    tpu.enqueue_indirect_dma source(%dma_start3A_8 : memref<100000x512xf32, #tpu.memory_space<hbm>>) target(%arg6 : memref<56x512xf32, #tpu.memory_space<vmem>>) offsets(%dma_start3A_5 : memref<56xi32, #tpu.memory_space<vmem>>) semaphore(%arg10 : memref<!tpu.dma_semaphore, #tpu.memory_space<semaphore_mem>>)
    %scan3A = arith.constant 0 : i32
    %scan3A_9 = arith.constant 0 : i32
    %scan3A_10 = arith.constant 32 : i32
    %scan3A_11 = arith.addi %scan3A_9, %scan3A_10 : i32
    %scan3A_12 = arith.constant 1 : i32
    scf.for %scan3A_109 = %scan3A_9 to %scan3A_11 step %scan3A_12  : i32 {
      %mul3A_110 = arith.constant 4 : i32
      %mul3A_111 = arith.muli %scan3A_109, %mul3A_110 : i32
      %add3A_112 = arith.constant 0 : i32
      %add3A_113 = arith.addi %mul3A_111, %add3A_112 : i32
      %ge3A = arith.constant 3 : i32
      %ge3A_114 = arith.cmpi sge, %add3A_113, %ge3A : i32
      %convert_element_type3A = arith.extui %ge3A_114 : i1 to i32
      %cond3A = arith.constant 0 : i32
      %cond3A_115 = arith.cmpi ne, %convert_element_type3A, %cond3A : i32
      scf.if %cond3A_115 {
        %sub3A = arith.constant 4 : i32
        %sub3A_314 = arith.subi %add3A_113, %sub3A : i32
        %add3A_315 = arith.constant 1 : i32
        %add3A_316 = arith.addi %sub3A_314, %add3A_315 : i32
        %add3A_317 = arith.addi %mul3A_2, %add3A_316 : i32
        %add3A_318 = arith.addi %mul3A_2, %add3A_316 : i32
        %dma_wait3A_319 = arith.constant 0 : i32
        %dma_wait3A_320 = arith.constant 0 : i32
        %dma_wait3A_321 = tpu.memref_slice %arg7[%dma_wait3A_319, %dma_wait3A_320] : memref<56x512xf32, #tpu.memory_space<vmem>> -> memref<48x512xf32, #tpu.memory_space<vmem>>
        %dma_wait3A_322 = arith.constant 0 : i32
        %dma_wait3A_323 = arith.constant 0 : i32
        %dma_wait3A_324 = tpu.memref_slice %arg4[%add3A_317, %dma_wait3A_322, %dma_wait3A_323] : memref<4096x56x512xf32, #tpu.memory_space<hbm>> -> memref<1x48x512xf32, #tpu.memory_space<hbm>>
        %dma_wait3A_325 = tpu.memref_squeeze %dma_wait3A_324 : memref<1x48x512xf32, #tpu.memory_space<hbm>> -> memref<48x512xf32, #tpu.memory_space<hbm>>
        %dma_wait3A_326 = arith.constant 0 : i32
        %dma_wait3A_327 = arith.constant 0 : i32
        %dma_wait3A_328 = tpu.memref_slice %arg4[%add3A_317, %dma_wait3A_326, %dma_wait3A_327] : memref<4096x56x512xf32, #tpu.memory_space<hbm>> -> memref<1x48x512xf32, #tpu.memory_space<hbm>>
        %dma_wait3A_329 = tpu.memref_squeeze %dma_wait3A_328 : memref<1x48x512xf32, #tpu.memory_space<hbm>> -> memref<48x512xf32, #tpu.memory_space<hbm>>
        %dma_wait3A_330 = arith.constant 0 : i32
        %dma_wait3A_331 = arith.constant 0 : i32
        %dma_wait3A_332 = tpu.memref_slice %arg7[%dma_wait3A_330, %dma_wait3A_331] : memref<56x512xf32, #tpu.memory_space<vmem>> -> memref<48x512xf32, #tpu.memory_space<vmem>>
        tpu.wait_dma2 semaphore(%arg15 : memref<!tpu.dma_semaphore, #tpu.memory_space<semaphore_mem>>) src(%dma_wait3A_332 : memref<48x512xf32, #tpu.memory_space<vmem>>) dst(%dma_wait3A_329 : memref<48x512xf32, #tpu.memory_space<hbm>>)
        %dma_wait3A_333 = arith.constant 48 : i32
        %dma_wait3A_334 = arith.constant 0 : i32
        %dma_wait3A_335 = tpu.memref_slice %arg7[%dma_wait3A_333, %dma_wait3A_334] : memref<56x512xf32, #tpu.memory_space<vmem>> -> memref<2x512xf32, #tpu.memory_space<vmem>>
        %dma_wait3A_336 = arith.constant 48 : i32
        %dma_wait3A_337 = arith.constant 0 : i32
        %dma_wait3A_338 = tpu.memref_slice %arg4[%add3A_318, %dma_wait3A_336, %dma_wait3A_337] : memref<4096x56x512xf32, #tpu.memory_space<hbm>> -> memref<1x2x512xf32, #tpu.memory_space<hbm>>
        %dma_wait3A_339 = tpu.memref_squeeze %dma_wait3A_338 : memref<1x2x512xf32, #tpu.memory_space<hbm>> -> memref<2x512xf32, #tpu.memory_space<hbm>>
        %dma_wait3A_340 = arith.constant 48 : i32
        %dma_wait3A_341 = arith.constant 0 : i32
        %dma_wait3A_342 = tpu.memref_slice %arg4[%add3A_318, %dma_wait3A_340, %dma_wait3A_341] : memref<4096x56x512xf32, #tpu.memory_space<hbm>> -> memref<1x2x512xf32, #tpu.memory_space<hbm>>
        %dma_wait3A_343 = tpu.memref_squeeze %dma_wait3A_342 : memref<1x2x512xf32, #tpu.memory_space<hbm>> -> memref<2x512xf32, #tpu.memory_space<hbm>>
        %dma_wait3A_344 = arith.constant 48 : i32
        %dma_wait3A_345 = arith.constant 0 : i32
        %dma_wait3A_346 = tpu.memref_slice %arg7[%dma_wait3A_344, %dma_wait3A_345] : memref<56x512xf32, #tpu.memory_space<vmem>> -> memref<2x512xf32, #tpu.memory_space<vmem>>
        tpu.wait_dma2 semaphore(%arg15 : memref<!tpu.dma_semaphore, #tpu.memory_space<semaphore_mem>>) src(%dma_wait3A_346 : memref<2x512xf32, #tpu.memory_space<vmem>>) dst(%dma_wait3A_343 : memref<2x512xf32, #tpu.memory_space<hbm>>)
      } else {
      }
      %add3A_116 = arith.constant 1 : i32
      %add3A_117 = arith.addi %add3A_113, %add3A_116 : i32
      %lt3A = arith.constant 128 : i32
      %lt3A_118 = arith.cmpi slt, %add3A_117, %lt3A : i32
      %convert_element_type3A_119 = arith.extui %lt3A_118 : i1 to i32
      %cond3A_120 = arith.constant 0 : i32
      %cond3A_121 = arith.cmpi ne, %convert_element_type3A_119, %cond3A_120 : i32
      scf.if %cond3A_121 {
        %add3A_314 = arith.constant 1 : i32
        %add3A_315 = arith.addi %add3A_113, %add3A_314 : i32
        %mul3A_316 = arith.constant 56 : i32
        %mul3A_317 = arith.muli %add3A_315, %mul3A_316 : i32
        %dma_start3A_318 = tpu.memref_slice %arg5[%mul3A_317] : memref<7168xi32, #tpu.memory_space<vmem>> -> memref<56xi32, #tpu.memory_space<vmem>>
        %dma_start3A_319 = arith.constant 0 : i32
        %dma_start3A_320 = arith.constant 0 : i32
        %dma_start3A_321 = tpu.memref_slice %arg2[%dma_start3A_319, %dma_start3A_320] : memref<100000x512xf32, #tpu.memory_space<hbm>> -> memref<100000x512xf32, #tpu.memory_space<hbm>>
        tpu.enqueue_indirect_dma source(%dma_start3A_321 : memref<100000x512xf32, #tpu.memory_space<hbm>>) target(%arg7 : memref<56x512xf32, #tpu.memory_space<vmem>>) offsets(%dma_start3A_318 : memref<56xi32, #tpu.memory_space<vmem>>) semaphore(%arg11 : memref<!tpu.dma_semaphore, #tpu.memory_space<semaphore_mem>>)
      } else {
      }
      %mul3A_122 = arith.constant 56 : i32
      %mul3A_123 = arith.muli %add3A_113, %mul3A_122 : i32
      %dma_wait3A_124 = tpu.memref_slice %arg5[%mul3A_123] : memref<7168xi32, #tpu.memory_space<vmem>> -> memref<56xi32, #tpu.memory_space<vmem>>
      %dma_wait3A_125 = arith.constant 0 : i32
      %dma_wait3A_126 = arith.constant 0 : i32
      %dma_wait3A_127 = tpu.memref_slice %arg2[%dma_wait3A_125, %dma_wait3A_126] : memref<100000x512xf32, #tpu.memory_space<hbm>> -> memref<100000x512xf32, #tpu.memory_space<hbm>>
      tpu.wait_indirect_dma semaphore(%arg10 : memref<!tpu.dma_semaphore, #tpu.memory_space<semaphore_mem>>) src(%dma_wait3A_127 : memref<100000x512xf32, #tpu.memory_space<hbm>>) dst(%arg6 : memref<56x512xf32, #tpu.memory_space<vmem>>)
      %add3A_128 = arith.addi %mul3A_2, %add3A_113 : i32
      %add3A_129 = arith.addi %mul3A_2, %add3A_113 : i32
      %dma_start3A_130 = arith.constant 0 : i32
      %dma_start3A_131 = arith.constant 0 : i32
      %dma_start3A_132 = tpu.memref_slice %arg6[%dma_start3A_130, %dma_start3A_131] : memref<56x512xf32, #tpu.memory_space<vmem>> -> memref<48x512xf32, #tpu.memory_space<vmem>>
      %dma_start3A_133 = arith.constant 0 : i32
      %dma_start3A_134 = arith.constant 0 : i32
      %dma_start3A_135 = tpu.memref_slice %arg4[%add3A_128, %dma_start3A_133, %dma_start3A_134] : memref<4096x56x512xf32, #tpu.memory_space<hbm>> -> memref<1x48x512xf32, #tpu.memory_space<hbm>>
      %dma_start3A_136 = tpu.memref_squeeze %dma_start3A_135 : memref<1x48x512xf32, #tpu.memory_space<hbm>> -> memref<48x512xf32, #tpu.memory_space<hbm>>
      %dma_start3A_137 = arith.constant 0 : i32
      %dma_start3A_138 = arith.constant 0 : i32
      %dma_start3A_139 = tpu.memref_slice %arg4[%add3A_128, %dma_start3A_137, %dma_start3A_138] : memref<4096x56x512xf32, #tpu.memory_space<hbm>> -> memref<1x48x512xf32, #tpu.memory_space<hbm>>
      %dma_start3A_140 = tpu.memref_squeeze %dma_start3A_139 : memref<1x48x512xf32, #tpu.memory_space<hbm>> -> memref<48x512xf32, #tpu.memory_space<hbm>>
      %dma_start3A_141 = arith.constant 0 : i32
      %dma_start3A_142 = arith.constant 0 : i32
      %dma_start3A_143 = tpu.memref_slice %arg6[%dma_start3A_141, %dma_start3A_142] : memref<56x512xf32, #tpu.memory_space<vmem>> -> memref<48x512xf32, #tpu.memory_space<vmem>>
      tpu.enqueue_dma source(%dma_start3A_143 : memref<48x512xf32, #tpu.memory_space<vmem>>) target(%dma_start3A_140 : memref<48x512xf32, #tpu.memory_space<hbm>>) target_semaphore(%arg14 : memref<!tpu.dma_semaphore, #tpu.memory_space<semaphore_mem>>)
      %dma_start3A_144 = arith.constant 48 : i32
      %dma_start3A_145 = arith.constant 0 : i32
      %dma_start3A_146 = tpu.memref_slice %arg6[%dma_start3A_144, %dma_start3A_145] : memref<56x512xf32, #tpu.memory_space<vmem>> -> memref<2x512xf32, #tpu.memory_space<vmem>>
      %dma_start3A_147 = arith.constant 48 : i32
      %dma_start3A_148 = arith.constant 0 : i32
      %dma_start3A_149 = tpu.memref_slice %arg4[%add3A_129, %dma_start3A_147, %dma_start3A_148] : memref<4096x56x512xf32, #tpu.memory_space<hbm>> -> memref<1x2x512xf32, #tpu.memory_space<hbm>>
      %dma_start3A_150 = tpu.memref_squeeze %dma_start3A_149 : memref<1x2x512xf32, #tpu.memory_space<hbm>> -> memref<2x512xf32, #tpu.memory_space<hbm>>
      %dma_start3A_151 = arith.constant 48 : i32
      %dma_start3A_152 = arith.constant 0 : i32
      %dma_start3A_153 = tpu.memref_slice %arg4[%add3A_129, %dma_start3A_151, %dma_start3A_152] : memref<4096x56x512xf32, #tpu.memory_space<hbm>> -> memref<1x2x512xf32, #tpu.memory_space<hbm>>
      %dma_start3A_154 = tpu.memref_squeeze %dma_start3A_153 : memref<1x2x512xf32, #tpu.memory_space<hbm>> -> memref<2x512xf32, #tpu.memory_space<hbm>>
      %dma_start3A_155 = arith.constant 48 : i32
      %dma_start3A_156 = arith.constant 0 : i32
      %dma_start3A_157 = tpu.memref_slice %arg6[%dma_start3A_155, %dma_start3A_156] : memref<56x512xf32, #tpu.memory_space<vmem>> -> memref<2x512xf32, #tpu.memory_space<vmem>>
      tpu.enqueue_dma source(%dma_start3A_157 : memref<2x512xf32, #tpu.memory_space<vmem>>) target(%dma_start3A_154 : memref<2x512xf32, #tpu.memory_space<hbm>>) target_semaphore(%arg14 : memref<!tpu.dma_semaphore, #tpu.memory_space<semaphore_mem>>)
      %mul3A_158 = arith.constant 4 : i32
      %mul3A_159 = arith.muli %scan3A_109, %mul3A_158 : i32
      %add3A_160 = arith.constant 1 : i32
      %add3A_161 = arith.addi %mul3A_159, %add3A_160 : i32
      %ge3A_162 = arith.constant 3 : i32
      %ge3A_163 = arith.cmpi sge, %add3A_161, %ge3A_162 : i32
      %convert_element_type3A_164 = arith.extui %ge3A_163 : i1 to i32
      %cond3A_165 = arith.constant 0 : i32
      %cond3A_166 = arith.cmpi ne, %convert_element_type3A_164, %cond3A_165 : i32
      scf.if %cond3A_166 {
        %sub3A = arith.constant 4 : i32
        %sub3A_314 = arith.subi %add3A_161, %sub3A : i32
        %add3A_315 = arith.constant 1 : i32
        %add3A_316 = arith.addi %sub3A_314, %add3A_315 : i32
        %add3A_317 = arith.addi %mul3A_2, %add3A_316 : i32
        %add3A_318 = arith.addi %mul3A_2, %add3A_316 : i32
        %dma_wait3A_319 = arith.constant 0 : i32
        %dma_wait3A_320 = arith.constant 0 : i32
        %dma_wait3A_321 = tpu.memref_slice %arg8[%dma_wait3A_319, %dma_wait3A_320] : memref<56x512xf32, #tpu.memory_space<vmem>> -> memref<48x512xf32, #tpu.memory_space<vmem>>
        %dma_wait3A_322 = arith.constant 0 : i32
        %dma_wait3A_323 = arith.constant 0 : i32
        %dma_wait3A_324 = tpu.memref_slice %arg4[%add3A_317, %dma_wait3A_322, %dma_wait3A_323] : memref<4096x56x512xf32, #tpu.memory_space<hbm>> -> memref<1x48x512xf32, #tpu.memory_space<hbm>>
        %dma_wait3A_325 = tpu.memref_squeeze %dma_wait3A_324 : memref<1x48x512xf32, #tpu.memory_space<hbm>> -> memref<48x512xf32, #tpu.memory_space<hbm>>
        %dma_wait3A_326 = arith.constant 0 : i32
        %dma_wait3A_327 = arith.constant 0 : i32
        %dma_wait3A_328 = tpu.memref_slice %arg4[%add3A_317, %dma_wait3A_326, %dma_wait3A_327] : memref<4096x56x512xf32, #tpu.memory_space<hbm>> -> memref<1x48x512xf32, #tpu.memory_space<hbm>>
        %dma_wait3A_329 = tpu.memref_squeeze %dma_wait3A_328 : memref<1x48x512xf32, #tpu.memory_space<hbm>> -> memref<48x512xf32, #tpu.memory_space<hbm>>
        %dma_wait3A_330 = arith.constant 0 : i32
        %dma_wait3A_331 = arith.constant 0 : i32
        %dma_wait3A_332 = tpu.memref_slice %arg8[%dma_wait3A_330, %dma_wait3A_331] : memref<56x512xf32, #tpu.memory_space<vmem>> -> memref<48x512xf32, #tpu.memory_space<vmem>>
        tpu.wait_dma2 semaphore(%arg16 : memref<!tpu.dma_semaphore, #tpu.memory_space<semaphore_mem>>) src(%dma_wait3A_332 : memref<48x512xf32, #tpu.memory_space<vmem>>) dst(%dma_wait3A_329 : memref<48x512xf32, #tpu.memory_space<hbm>>)
        %dma_wait3A_333 = arith.constant 48 : i32
        %dma_wait3A_334 = arith.constant 0 : i32
        %dma_wait3A_335 = tpu.memref_slice %arg8[%dma_wait3A_333, %dma_wait3A_334] : memref<56x512xf32, #tpu.memory_space<vmem>> -> memref<2x512xf32, #tpu.memory_space<vmem>>
        %dma_wait3A_336 = arith.constant 48 : i32
        %dma_wait3A_337 = arith.constant 0 : i32
        %dma_wait3A_338 = tpu.memref_slice %arg4[%add3A_318, %dma_wait3A_336, %dma_wait3A_337] : memref<4096x56x512xf32, #tpu.memory_space<hbm>> -> memref<1x2x512xf32, #tpu.memory_space<hbm>>
        %dma_wait3A_339 = tpu.memref_squeeze %dma_wait3A_338 : memref<1x2x512xf32, #tpu.memory_space<hbm>> -> memref<2x512xf32, #tpu.memory_space<hbm>>
        %dma_wait3A_340 = arith.constant 48 : i32
        %dma_wait3A_341 = arith.constant 0 : i32
        %dma_wait3A_342 = tpu.memref_slice %arg4[%add3A_318, %dma_wait3A_340, %dma_wait3A_341] : memref<4096x56x512xf32, #tpu.memory_space<hbm>> -> memref<1x2x512xf32, #tpu.memory_space<hbm>>
        %dma_wait3A_343 = tpu.memref_squeeze %dma_wait3A_342 : memref<1x2x512xf32, #tpu.memory_space<hbm>> -> memref<2x512xf32, #tpu.memory_space<hbm>>
        %dma_wait3A_344 = arith.constant 48 : i32
        %dma_wait3A_345 = arith.constant 0 : i32
        %dma_wait3A_346 = tpu.memref_slice %arg8[%dma_wait3A_344, %dma_wait3A_345] : memref<56x512xf32, #tpu.memory_space<vmem>> -> memref<2x512xf32, #tpu.memory_space<vmem>>
        tpu.wait_dma2 semaphore(%arg16 : memref<!tpu.dma_semaphore, #tpu.memory_space<semaphore_mem>>) src(%dma_wait3A_346 : memref<2x512xf32, #tpu.memory_space<vmem>>) dst(%dma_wait3A_343 : memref<2x512xf32, #tpu.memory_space<hbm>>)
      } else {
      }
      %add3A_167 = arith.constant 1 : i32
      %add3A_168 = arith.addi %add3A_161, %add3A_167 : i32
      %lt3A_169 = arith.constant 128 : i32
      %lt3A_170 = arith.cmpi slt, %add3A_168, %lt3A_169 : i32
      %convert_element_type3A_171 = arith.extui %lt3A_170 : i1 to i32
      %cond3A_172 = arith.constant 0 : i32
      %cond3A_173 = arith.cmpi ne, %convert_element_type3A_171, %cond3A_172 : i32
      scf.if %cond3A_173 {
        %add3A_314 = arith.constant 1 : i32
        %add3A_315 = arith.addi %add3A_161, %add3A_314 : i32
        %mul3A_316 = arith.constant 56 : i32
        %mul3A_317 = arith.muli %add3A_315, %mul3A_316 : i32
        %dma_start3A_318 = tpu.memref_slice %arg5[%mul3A_317] : memref<7168xi32, #tpu.memory_space<vmem>> -> memref<56xi32, #tpu.memory_space<vmem>>
        %dma_start3A_319 = arith.constant 0 : i32
        %dma_start3A_320 = arith.constant 0 : i32
        %dma_start3A_321 = tpu.memref_slice %arg2[%dma_start3A_319, %dma_start3A_320] : memref<100000x512xf32, #tpu.memory_space<hbm>> -> memref<100000x512xf32, #tpu.memory_space<hbm>>
        tpu.enqueue_indirect_dma source(%dma_start3A_321 : memref<100000x512xf32, #tpu.memory_space<hbm>>) target(%arg8 : memref<56x512xf32, #tpu.memory_space<vmem>>) offsets(%dma_start3A_318 : memref<56xi32, #tpu.memory_space<vmem>>) semaphore(%arg12 : memref<!tpu.dma_semaphore, #tpu.memory_space<semaphore_mem>>)
      } else {
      }
      %mul3A_174 = arith.constant 56 : i32
      %mul3A_175 = arith.muli %add3A_161, %mul3A_174 : i32
      %dma_wait3A_176 = tpu.memref_slice %arg5[%mul3A_175] : memref<7168xi32, #tpu.memory_space<vmem>> -> memref<56xi32, #tpu.memory_space<vmem>>
      %dma_wait3A_177 = arith.constant 0 : i32
      %dma_wait3A_178 = arith.constant 0 : i32
      %dma_wait3A_179 = tpu.memref_slice %arg2[%dma_wait3A_177, %dma_wait3A_178] : memref<100000x512xf32, #tpu.memory_space<hbm>> -> memref<100000x512xf32, #tpu.memory_space<hbm>>
      tpu.wait_indirect_dma semaphore(%arg11 : memref<!tpu.dma_semaphore, #tpu.memory_space<semaphore_mem>>) src(%dma_wait3A_179 : memref<100000x512xf32, #tpu.memory_space<hbm>>) dst(%arg7 : memref<56x512xf32, #tpu.memory_space<vmem>>)
      %add3A_180 = arith.addi %mul3A_2, %add3A_161 : i32
      %add3A_181 = arith.addi %mul3A_2, %add3A_161 : i32
      %dma_start3A_182 = arith.constant 0 : i32
      %dma_start3A_183 = arith.constant 0 : i32
      %dma_start3A_184 = tpu.memref_slice %arg7[%dma_start3A_182, %dma_start3A_183] : memref<56x512xf32, #tpu.memory_space<vmem>> -> memref<48x512xf32, #tpu.memory_space<vmem>>
      %dma_start3A_185 = arith.constant 0 : i32
      %dma_start3A_186 = arith.constant 0 : i32
      %dma_start3A_187 = tpu.memref_slice %arg4[%add3A_180, %dma_start3A_185, %dma_start3A_186] : memref<4096x56x512xf32, #tpu.memory_space<hbm>> -> memref<1x48x512xf32, #tpu.memory_space<hbm>>
      %dma_start3A_188 = tpu.memref_squeeze %dma_start3A_187 : memref<1x48x512xf32, #tpu.memory_space<hbm>> -> memref<48x512xf32, #tpu.memory_space<hbm>>
      %dma_start3A_189 = arith.constant 0 : i32
      %dma_start3A_190 = arith.constant 0 : i32
      %dma_start3A_191 = tpu.memref_slice %arg4[%add3A_180, %dma_start3A_189, %dma_start3A_190] : memref<4096x56x512xf32, #tpu.memory_space<hbm>> -> memref<1x48x512xf32, #tpu.memory_space<hbm>>
      %dma_start3A_192 = tpu.memref_squeeze %dma_start3A_191 : memref<1x48x512xf32, #tpu.memory_space<hbm>> -> memref<48x512xf32, #tpu.memory_space<hbm>>
      %dma_start3A_193 = arith.constant 0 : i32
      %dma_start3A_194 = arith.constant 0 : i32
      %dma_start3A_195 = tpu.memref_slice %arg7[%dma_start3A_193, %dma_start3A_194] : memref<56x512xf32, #tpu.memory_space<vmem>> -> memref<48x512xf32, #tpu.memory_space<vmem>>
      tpu.enqueue_dma source(%dma_start3A_195 : memref<48x512xf32, #tpu.memory_space<vmem>>) target(%dma_start3A_192 : memref<48x512xf32, #tpu.memory_space<hbm>>) target_semaphore(%arg15 : memref<!tpu.dma_semaphore, #tpu.memory_space<semaphore_mem>>)
      %dma_start3A_196 = arith.constant 48 : i32
      %dma_start3A_197 = arith.constant 0 : i32
      %dma_start3A_198 = tpu.memref_slice %arg7[%dma_start3A_196, %dma_start3A_197] : memref<56x512xf32, #tpu.memory_space<vmem>> -> memref<2x512xf32, #tpu.memory_space<vmem>>
      %dma_start3A_199 = arith.constant 48 : i32
      %dma_start3A_200 = arith.constant 0 : i32
      %dma_start3A_201 = tpu.memref_slice %arg4[%add3A_181, %dma_start3A_199, %dma_start3A_200] : memref<4096x56x512xf32, #tpu.memory_space<hbm>> -> memref<1x2x512xf32, #tpu.memory_space<hbm>>
      %dma_start3A_202 = tpu.memref_squeeze %dma_start3A_201 : memref<1x2x512xf32, #tpu.memory_space<hbm>> -> memref<2x512xf32, #tpu.memory_space<hbm>>
      %dma_start3A_203 = arith.constant 48 : i32
      %dma_start3A_204 = arith.constant 0 : i32
      %dma_start3A_205 = tpu.memref_slice %arg4[%add3A_181, %dma_start3A_203, %dma_start3A_204] : memref<4096x56x512xf32, #tpu.memory_space<hbm>> -> memref<1x2x512xf32, #tpu.memory_space<hbm>>
      %dma_start3A_206 = tpu.memref_squeeze %dma_start3A_205 : memref<1x2x512xf32, #tpu.memory_space<hbm>> -> memref<2x512xf32, #tpu.memory_space<hbm>>
      %dma_start3A_207 = arith.constant 48 : i32
      %dma_start3A_208 = arith.constant 0 : i32
      %dma_start3A_209 = tpu.memref_slice %arg7[%dma_start3A_207, %dma_start3A_208] : memref<56x512xf32, #tpu.memory_space<vmem>> -> memref<2x512xf32, #tpu.memory_space<vmem>>
      tpu.enqueue_dma source(%dma_start3A_209 : memref<2x512xf32, #tpu.memory_space<vmem>>) target(%dma_start3A_206 : memref<2x512xf32, #tpu.memory_space<hbm>>) target_semaphore(%arg15 : memref<!tpu.dma_semaphore, #tpu.memory_space<semaphore_mem>>)
      %mul3A_210 = arith.constant 4 : i32
      %mul3A_211 = arith.muli %scan3A_109, %mul3A_210 : i32
      %add3A_212 = arith.constant 2 : i32
      %add3A_213 = arith.addi %mul3A_211, %add3A_212 : i32
      %ge3A_214 = arith.constant 3 : i32
      %ge3A_215 = arith.cmpi sge, %add3A_213, %ge3A_214 : i32
      %convert_element_type3A_216 = arith.extui %ge3A_215 : i1 to i32
      %cond3A_217 = arith.constant 0 : i32
      %cond3A_218 = arith.cmpi ne, %convert_element_type3A_216, %cond3A_217 : i32
      scf.if %cond3A_218 {
        %sub3A = arith.constant 4 : i32
        %sub3A_314 = arith.subi %add3A_213, %sub3A : i32
        %add3A_315 = arith.constant 1 : i32
        %add3A_316 = arith.addi %sub3A_314, %add3A_315 : i32
        %add3A_317 = arith.addi %mul3A_2, %add3A_316 : i32
        %add3A_318 = arith.addi %mul3A_2, %add3A_316 : i32
        %dma_wait3A_319 = arith.constant 0 : i32
        %dma_wait3A_320 = arith.constant 0 : i32
        %dma_wait3A_321 = tpu.memref_slice %arg9[%dma_wait3A_319, %dma_wait3A_320] : memref<56x512xf32, #tpu.memory_space<vmem>> -> memref<48x512xf32, #tpu.memory_space<vmem>>
        %dma_wait3A_322 = arith.constant 0 : i32
        %dma_wait3A_323 = arith.constant 0 : i32
        %dma_wait3A_324 = tpu.memref_slice %arg4[%add3A_317, %dma_wait3A_322, %dma_wait3A_323] : memref<4096x56x512xf32, #tpu.memory_space<hbm>> -> memref<1x48x512xf32, #tpu.memory_space<hbm>>
        %dma_wait3A_325 = tpu.memref_squeeze %dma_wait3A_324 : memref<1x48x512xf32, #tpu.memory_space<hbm>> -> memref<48x512xf32, #tpu.memory_space<hbm>>
        %dma_wait3A_326 = arith.constant 0 : i32
        %dma_wait3A_327 = arith.constant 0 : i32
        %dma_wait3A_328 = tpu.memref_slice %arg4[%add3A_317, %dma_wait3A_326, %dma_wait3A_327] : memref<4096x56x512xf32, #tpu.memory_space<hbm>> -> memref<1x48x512xf32, #tpu.memory_space<hbm>>
        %dma_wait3A_329 = tpu.memref_squeeze %dma_wait3A_328 : memref<1x48x512xf32, #tpu.memory_space<hbm>> -> memref<48x512xf32, #tpu.memory_space<hbm>>
        %dma_wait3A_330 = arith.constant 0 : i32
        %dma_wait3A_331 = arith.constant 0 : i32
        %dma_wait3A_332 = tpu.memref_slice %arg9[%dma_wait3A_330, %dma_wait3A_331] : memref<56x512xf32, #tpu.memory_space<vmem>> -> memref<48x512xf32, #tpu.memory_space<vmem>>
        tpu.wait_dma2 semaphore(%arg17 : memref<!tpu.dma_semaphore, #tpu.memory_space<semaphore_mem>>) src(%dma_wait3A_332 : memref<48x512xf32, #tpu.memory_space<vmem>>) dst(%dma_wait3A_329 : memref<48x512xf32, #tpu.memory_space<hbm>>)
        %dma_wait3A_333 = arith.constant 48 : i32
        %dma_wait3A_334 = arith.constant 0 : i32
        %dma_wait3A_335 = tpu.memref_slice %arg9[%dma_wait3A_333, %dma_wait3A_334] : memref<56x512xf32, #tpu.memory_space<vmem>> -> memref<2x512xf32, #tpu.memory_space<vmem>>
        %dma_wait3A_336 = arith.constant 48 : i32
        %dma_wait3A_337 = arith.constant 0 : i32
        %dma_wait3A_338 = tpu.memref_slice %arg4[%add3A_318, %dma_wait3A_336, %dma_wait3A_337] : memref<4096x56x512xf32, #tpu.memory_space<hbm>> -> memref<1x2x512xf32, #tpu.memory_space<hbm>>
        %dma_wait3A_339 = tpu.memref_squeeze %dma_wait3A_338 : memref<1x2x512xf32, #tpu.memory_space<hbm>> -> memref<2x512xf32, #tpu.memory_space<hbm>>
        %dma_wait3A_340 = arith.constant 48 : i32
        %dma_wait3A_341 = arith.constant 0 : i32
        %dma_wait3A_342 = tpu.memref_slice %arg4[%add3A_318, %dma_wait3A_340, %dma_wait3A_341] : memref<4096x56x512xf32, #tpu.memory_space<hbm>> -> memref<1x2x512xf32, #tpu.memory_space<hbm>>
        %dma_wait3A_343 = tpu.memref_squeeze %dma_wait3A_342 : memref<1x2x512xf32, #tpu.memory_space<hbm>> -> memref<2x512xf32, #tpu.memory_space<hbm>>
        %dma_wait3A_344 = arith.constant 48 : i32
        %dma_wait3A_345 = arith.constant 0 : i32
        %dma_wait3A_346 = tpu.memref_slice %arg9[%dma_wait3A_344, %dma_wait3A_345] : memref<56x512xf32, #tpu.memory_space<vmem>> -> memref<2x512xf32, #tpu.memory_space<vmem>>
        tpu.wait_dma2 semaphore(%arg17 : memref<!tpu.dma_semaphore, #tpu.memory_space<semaphore_mem>>) src(%dma_wait3A_346 : memref<2x512xf32, #tpu.memory_space<vmem>>) dst(%dma_wait3A_343 : memref<2x512xf32, #tpu.memory_space<hbm>>)
      } else {
      }
      %add3A_219 = arith.constant 1 : i32
      %add3A_220 = arith.addi %add3A_213, %add3A_219 : i32
      %lt3A_221 = arith.constant 128 : i32
      %lt3A_222 = arith.cmpi slt, %add3A_220, %lt3A_221 : i32
      %convert_element_type3A_223 = arith.extui %lt3A_222 : i1 to i32
      %cond3A_224 = arith.constant 0 : i32
      %cond3A_225 = arith.cmpi ne, %convert_element_type3A_223, %cond3A_224 : i32
      scf.if %cond3A_225 {
        %add3A_314 = arith.constant 1 : i32
        %add3A_315 = arith.addi %add3A_213, %add3A_314 : i32
        %mul3A_316 = arith.constant 56 : i32
        %mul3A_317 = arith.muli %add3A_315, %mul3A_316 : i32
        %dma_start3A_318 = tpu.memref_slice %arg5[%mul3A_317] : memref<7168xi32, #tpu.memory_space<vmem>> -> memref<56xi32, #tpu.memory_space<vmem>>
        %dma_start3A_319 = arith.constant 0 : i32
        %dma_start3A_320 = arith.constant 0 : i32
        %dma_start3A_321 = tpu.memref_slice %arg2[%dma_start3A_319, %dma_start3A_320] : memref<100000x512xf32, #tpu.memory_space<hbm>> -> memref<100000x512xf32, #tpu.memory_space<hbm>>
        tpu.enqueue_indirect_dma source(%dma_start3A_321 : memref<100000x512xf32, #tpu.memory_space<hbm>>) target(%arg9 : memref<56x512xf32, #tpu.memory_space<vmem>>) offsets(%dma_start3A_318 : memref<56xi32, #tpu.memory_space<vmem>>) semaphore(%arg13 : memref<!tpu.dma_semaphore, #tpu.memory_space<semaphore_mem>>)
      } else {
      }
      %mul3A_226 = arith.constant 56 : i32
      %mul3A_227 = arith.muli %add3A_213, %mul3A_226 : i32
      %dma_wait3A_228 = tpu.memref_slice %arg5[%mul3A_227] : memref<7168xi32, #tpu.memory_space<vmem>> -> memref<56xi32, #tpu.memory_space<vmem>>
      %dma_wait3A_229 = arith.constant 0 : i32
      %dma_wait3A_230 = arith.constant 0 : i32
      %dma_wait3A_231 = tpu.memref_slice %arg2[%dma_wait3A_229, %dma_wait3A_230] : memref<100000x512xf32, #tpu.memory_space<hbm>> -> memref<100000x512xf32, #tpu.memory_space<hbm>>
      tpu.wait_indirect_dma semaphore(%arg12 : memref<!tpu.dma_semaphore, #tpu.memory_space<semaphore_mem>>) src(%dma_wait3A_231 : memref<100000x512xf32, #tpu.memory_space<hbm>>) dst(%arg8 : memref<56x512xf32, #tpu.memory_space<vmem>>)
      %add3A_232 = arith.addi %mul3A_2, %add3A_213 : i32
      %add3A_233 = arith.addi %mul3A_2, %add3A_213 : i32
      %dma_start3A_234 = arith.constant 0 : i32
      %dma_start3A_235 = arith.constant 0 : i32
      %dma_start3A_236 = tpu.memref_slice %arg8[%dma_start3A_234, %dma_start3A_235] : memref<56x512xf32, #tpu.memory_space<vmem>> -> memref<48x512xf32, #tpu.memory_space<vmem>>
      %dma_start3A_237 = arith.constant 0 : i32
      %dma_start3A_238 = arith.constant 0 : i32
      %dma_start3A_239 = tpu.memref_slice %arg4[%add3A_232, %dma_start3A_237, %dma_start3A_238] : memref<4096x56x512xf32, #tpu.memory_space<hbm>> -> memref<1x48x512xf32, #tpu.memory_space<hbm>>
      %dma_start3A_240 = tpu.memref_squeeze %dma_start3A_239 : memref<1x48x512xf32, #tpu.memory_space<hbm>> -> memref<48x512xf32, #tpu.memory_space<hbm>>
      %dma_start3A_241 = arith.constant 0 : i32
      %dma_start3A_242 = arith.constant 0 : i32
      %dma_start3A_243 = tpu.memref_slice %arg4[%add3A_232, %dma_start3A_241, %dma_start3A_242] : memref<4096x56x512xf32, #tpu.memory_space<hbm>> -> memref<1x48x512xf32, #tpu.memory_space<hbm>>
      %dma_start3A_244 = tpu.memref_squeeze %dma_start3A_243 : memref<1x48x512xf32, #tpu.memory_space<hbm>> -> memref<48x512xf32, #tpu.memory_space<hbm>>
      %dma_start3A_245 = arith.constant 0 : i32
      %dma_start3A_246 = arith.constant 0 : i32
      %dma_start3A_247 = tpu.memref_slice %arg8[%dma_start3A_245, %dma_start3A_246] : memref<56x512xf32, #tpu.memory_space<vmem>> -> memref<48x512xf32, #tpu.memory_space<vmem>>
      tpu.enqueue_dma source(%dma_start3A_247 : memref<48x512xf32, #tpu.memory_space<vmem>>) target(%dma_start3A_244 : memref<48x512xf32, #tpu.memory_space<hbm>>) target_semaphore(%arg16 : memref<!tpu.dma_semaphore, #tpu.memory_space<semaphore_mem>>)
      %dma_start3A_248 = arith.constant 48 : i32
      %dma_start3A_249 = arith.constant 0 : i32
      %dma_start3A_250 = tpu.memref_slice %arg8[%dma_start3A_248, %dma_start3A_249] : memref<56x512xf32, #tpu.memory_space<vmem>> -> memref<2x512xf32, #tpu.memory_space<vmem>>
      %dma_start3A_251 = arith.constant 48 : i32
      %dma_start3A_252 = arith.constant 0 : i32
      %dma_start3A_253 = tpu.memref_slice %arg4[%add3A_233, %dma_start3A_251, %dma_start3A_252] : memref<4096x56x512xf32, #tpu.memory_space<hbm>> -> memref<1x2x512xf32, #tpu.memory_space<hbm>>
      %dma_start3A_254 = tpu.memref_squeeze %dma_start3A_253 : memref<1x2x512xf32, #tpu.memory_space<hbm>> -> memref<2x512xf32, #tpu.memory_space<hbm>>
      %dma_start3A_255 = arith.constant 48 : i32
      %dma_start3A_256 = arith.constant 0 : i32
      %dma_start3A_257 = tpu.memref_slice %arg4[%add3A_233, %dma_start3A_255, %dma_start3A_256] : memref<4096x56x512xf32, #tpu.memory_space<hbm>> -> memref<1x2x512xf32, #tpu.memory_space<hbm>>
      %dma_start3A_258 = tpu.memref_squeeze %dma_start3A_257 : memref<1x2x512xf32, #tpu.memory_space<hbm>> -> memref<2x512xf32, #tpu.memory_space<hbm>>
      %dma_start3A_259 = arith.constant 48 : i32
      %dma_start3A_260 = arith.constant 0 : i32
      %dma_start3A_261 = tpu.memref_slice %arg8[%dma_start3A_259, %dma_start3A_260] : memref<56x512xf32, #tpu.memory_space<vmem>> -> memref<2x512xf32, #tpu.memory_space<vmem>>
      tpu.enqueue_dma source(%dma_start3A_261 : memref<2x512xf32, #tpu.memory_space<vmem>>) target(%dma_start3A_258 : memref<2x512xf32, #tpu.memory_space<hbm>>) target_semaphore(%arg16 : memref<!tpu.dma_semaphore, #tpu.memory_space<semaphore_mem>>)
      %mul3A_262 = arith.constant 4 : i32
      %mul3A_263 = arith.muli %scan3A_109, %mul3A_262 : i32
      %add3A_264 = arith.constant 3 : i32
      %add3A_265 = arith.addi %mul3A_263, %add3A_264 : i32
      %ge3A_266 = arith.constant 3 : i32
      %ge3A_267 = arith.cmpi sge, %add3A_265, %ge3A_266 : i32
      %convert_element_type3A_268 = arith.extui %ge3A_267 : i1 to i32
      %cond3A_269 = arith.constant 0 : i32
      %cond3A_270 = arith.cmpi ne, %convert_element_type3A_268, %cond3A_269 : i32
      scf.if %cond3A_270 {
        %sub3A = arith.constant 4 : i32
        %sub3A_314 = arith.subi %add3A_265, %sub3A : i32
        %add3A_315 = arith.constant 1 : i32
        %add3A_316 = arith.addi %sub3A_314, %add3A_315 : i32
        %add3A_317 = arith.addi %mul3A_2, %add3A_316 : i32
        %add3A_318 = arith.addi %mul3A_2, %add3A_316 : i32
        %dma_wait3A_319 = arith.constant 0 : i32
        %dma_wait3A_320 = arith.constant 0 : i32
        %dma_wait3A_321 = tpu.memref_slice %arg6[%dma_wait3A_319, %dma_wait3A_320] : memref<56x512xf32, #tpu.memory_space<vmem>> -> memref<48x512xf32, #tpu.memory_space<vmem>>
        %dma_wait3A_322 = arith.constant 0 : i32
        %dma_wait3A_323 = arith.constant 0 : i32
        %dma_wait3A_324 = tpu.memref_slice %arg4[%add3A_317, %dma_wait3A_322, %dma_wait3A_323] : memref<4096x56x512xf32, #tpu.memory_space<hbm>> -> memref<1x48x512xf32, #tpu.memory_space<hbm>>
        %dma_wait3A_325 = tpu.memref_squeeze %dma_wait3A_324 : memref<1x48x512xf32, #tpu.memory_space<hbm>> -> memref<48x512xf32, #tpu.memory_space<hbm>>
        %dma_wait3A_326 = arith.constant 0 : i32
        %dma_wait3A_327 = arith.constant 0 : i32
        %dma_wait3A_328 = tpu.memref_slice %arg4[%add3A_317, %dma_wait3A_326, %dma_wait3A_327] : memref<4096x56x512xf32, #tpu.memory_space<hbm>> -> memref<1x48x512xf32, #tpu.memory_space<hbm>>
        %dma_wait3A_329 = tpu.memref_squeeze %dma_wait3A_328 : memref<1x48x512xf32, #tpu.memory_space<hbm>> -> memref<48x512xf32, #tpu.memory_space<hbm>>
        %dma_wait3A_330 = arith.constant 0 : i32
        %dma_wait3A_331 = arith.constant 0 : i32
        %dma_wait3A_332 = tpu.memref_slice %arg6[%dma_wait3A_330, %dma_wait3A_331] : memref<56x512xf32, #tpu.memory_space<vmem>> -> memref<48x512xf32, #tpu.memory_space<vmem>>
        tpu.wait_dma2 semaphore(%arg14 : memref<!tpu.dma_semaphore, #tpu.memory_space<semaphore_mem>>) src(%dma_wait3A_332 : memref<48x512xf32, #tpu.memory_space<vmem>>) dst(%dma_wait3A_329 : memref<48x512xf32, #tpu.memory_space<hbm>>)
        %dma_wait3A_333 = arith.constant 48 : i32
        %dma_wait3A_334 = arith.constant 0 : i32
        %dma_wait3A_335 = tpu.memref_slice %arg6[%dma_wait3A_333, %dma_wait3A_334] : memref<56x512xf32, #tpu.memory_space<vmem>> -> memref<2x512xf32, #tpu.memory_space<vmem>>
        %dma_wait3A_336 = arith.constant 48 : i32
        %dma_wait3A_337 = arith.constant 0 : i32
        %dma_wait3A_338 = tpu.memref_slice %arg4[%add3A_318, %dma_wait3A_336, %dma_wait3A_337] : memref<4096x56x512xf32, #tpu.memory_space<hbm>> -> memref<1x2x512xf32, #tpu.memory_space<hbm>>
        %dma_wait3A_339 = tpu.memref_squeeze %dma_wait3A_338 : memref<1x2x512xf32, #tpu.memory_space<hbm>> -> memref<2x512xf32, #tpu.memory_space<hbm>>
        %dma_wait3A_340 = arith.constant 48 : i32
        %dma_wait3A_341 = arith.constant 0 : i32
        %dma_wait3A_342 = tpu.memref_slice %arg4[%add3A_318, %dma_wait3A_340, %dma_wait3A_341] : memref<4096x56x512xf32, #tpu.memory_space<hbm>> -> memref<1x2x512xf32, #tpu.memory_space<hbm>>
        %dma_wait3A_343 = tpu.memref_squeeze %dma_wait3A_342 : memref<1x2x512xf32, #tpu.memory_space<hbm>> -> memref<2x512xf32, #tpu.memory_space<hbm>>
        %dma_wait3A_344 = arith.constant 48 : i32
        %dma_wait3A_345 = arith.constant 0 : i32
        %dma_wait3A_346 = tpu.memref_slice %arg6[%dma_wait3A_344, %dma_wait3A_345] : memref<56x512xf32, #tpu.memory_space<vmem>> -> memref<2x512xf32, #tpu.memory_space<vmem>>
        tpu.wait_dma2 semaphore(%arg14 : memref<!tpu.dma_semaphore, #tpu.memory_space<semaphore_mem>>) src(%dma_wait3A_346 : memref<2x512xf32, #tpu.memory_space<vmem>>) dst(%dma_wait3A_343 : memref<2x512xf32, #tpu.memory_space<hbm>>)
      } else {
      }
      %add3A_271 = arith.constant 1 : i32
      %add3A_272 = arith.addi %add3A_265, %add3A_271 : i32
      %lt3A_273 = arith.constant 128 : i32
      %lt3A_274 = arith.cmpi slt, %add3A_272, %lt3A_273 : i32
      %convert_element_type3A_275 = arith.extui %lt3A_274 : i1 to i32
      %cond3A_276 = arith.constant 0 : i32
      %cond3A_277 = arith.cmpi ne, %convert_element_type3A_275, %cond3A_276 : i32
      scf.if %cond3A_277 {
        %add3A_314 = arith.constant 1 : i32
        %add3A_315 = arith.addi %add3A_265, %add3A_314 : i32
        %mul3A_316 = arith.constant 56 : i32
        %mul3A_317 = arith.muli %add3A_315, %mul3A_316 : i32
        %dma_start3A_318 = tpu.memref_slice %arg5[%mul3A_317] : memref<7168xi32, #tpu.memory_space<vmem>> -> memref<56xi32, #tpu.memory_space<vmem>>
        %dma_start3A_319 = arith.constant 0 : i32
        %dma_start3A_320 = arith.constant 0 : i32
        %dma_start3A_321 = tpu.memref_slice %arg2[%dma_start3A_319, %dma_start3A_320] : memref<100000x512xf32, #tpu.memory_space<hbm>> -> memref<100000x512xf32, #tpu.memory_space<hbm>>
        tpu.enqueue_indirect_dma source(%dma_start3A_321 : memref<100000x512xf32, #tpu.memory_space<hbm>>) target(%arg6 : memref<56x512xf32, #tpu.memory_space<vmem>>) offsets(%dma_start3A_318 : memref<56xi32, #tpu.memory_space<vmem>>) semaphore(%arg10 : memref<!tpu.dma_semaphore, #tpu.memory_space<semaphore_mem>>)
      } else {
      }
      %mul3A_278 = arith.constant 56 : i32
      %mul3A_279 = arith.muli %add3A_265, %mul3A_278 : i32
      %dma_wait3A_280 = tpu.memref_slice %arg5[%mul3A_279] : memref<7168xi32, #tpu.memory_space<vmem>> -> memref<56xi32, #tpu.memory_space<vmem>>
      %dma_wait3A_281 = arith.constant 0 : i32
      %dma_wait3A_282 = arith.constant 0 : i32
      %dma_wait3A_283 = tpu.memref_slice %arg2[%dma_wait3A_281, %dma_wait3A_282] : memref<100000x512xf32, #tpu.memory_space<hbm>> -> memref<100000x512xf32, #tpu.memory_space<hbm>>
      tpu.wait_indirect_dma semaphore(%arg13 : memref<!tpu.dma_semaphore, #tpu.memory_space<semaphore_mem>>) src(%dma_wait3A_283 : memref<100000x512xf32, #tpu.memory_space<hbm>>) dst(%arg9 : memref<56x512xf32, #tpu.memory_space<vmem>>)
      %add3A_284 = arith.addi %mul3A_2, %add3A_265 : i32
      %add3A_285 = arith.addi %mul3A_2, %add3A_265 : i32
      %dma_start3A_286 = arith.constant 0 : i32
      %dma_start3A_287 = arith.constant 0 : i32
      %dma_start3A_288 = tpu.memref_slice %arg9[%dma_start3A_286, %dma_start3A_287] : memref<56x512xf32, #tpu.memory_space<vmem>> -> memref<48x512xf32, #tpu.memory_space<vmem>>
      %dma_start3A_289 = arith.constant 0 : i32
      %dma_start3A_290 = arith.constant 0 : i32
      %dma_start3A_291 = tpu.memref_slice %arg4[%add3A_284, %dma_start3A_289, %dma_start3A_290] : memref<4096x56x512xf32, #tpu.memory_space<hbm>> -> memref<1x48x512xf32, #tpu.memory_space<hbm>>
      %dma_start3A_292 = tpu.memref_squeeze %dma_start3A_291 : memref<1x48x512xf32, #tpu.memory_space<hbm>> -> memref<48x512xf32, #tpu.memory_space<hbm>>
      %dma_start3A_293 = arith.constant 0 : i32
      %dma_start3A_294 = arith.constant 0 : i32
      %dma_start3A_295 = tpu.memref_slice %arg4[%add3A_284, %dma_start3A_293, %dma_start3A_294] : memref<4096x56x512xf32, #tpu.memory_space<hbm>> -> memref<1x48x512xf32, #tpu.memory_space<hbm>>
      %dma_start3A_296 = tpu.memref_squeeze %dma_start3A_295 : memref<1x48x512xf32, #tpu.memory_space<hbm>> -> memref<48x512xf32, #tpu.memory_space<hbm>>
      %dma_start3A_297 = arith.constant 0 : i32
      %dma_start3A_298 = arith.constant 0 : i32
      %dma_start3A_299 = tpu.memref_slice %arg9[%dma_start3A_297, %dma_start3A_298] : memref<56x512xf32, #tpu.memory_space<vmem>> -> memref<48x512xf32, #tpu.memory_space<vmem>>
      tpu.enqueue_dma source(%dma_start3A_299 : memref<48x512xf32, #tpu.memory_space<vmem>>) target(%dma_start3A_296 : memref<48x512xf32, #tpu.memory_space<hbm>>) target_semaphore(%arg17 : memref<!tpu.dma_semaphore, #tpu.memory_space<semaphore_mem>>)
      %dma_start3A_300 = arith.constant 48 : i32
      %dma_start3A_301 = arith.constant 0 : i32
      %dma_start3A_302 = tpu.memref_slice %arg9[%dma_start3A_300, %dma_start3A_301] : memref<56x512xf32, #tpu.memory_space<vmem>> -> memref<2x512xf32, #tpu.memory_space<vmem>>
      %dma_start3A_303 = arith.constant 48 : i32
      %dma_start3A_304 = arith.constant 0 : i32
      %dma_start3A_305 = tpu.memref_slice %arg4[%add3A_285, %dma_start3A_303, %dma_start3A_304] : memref<4096x56x512xf32, #tpu.memory_space<hbm>> -> memref<1x2x512xf32, #tpu.memory_space<hbm>>
      %dma_start3A_306 = tpu.memref_squeeze %dma_start3A_305 : memref<1x2x512xf32, #tpu.memory_space<hbm>> -> memref<2x512xf32, #tpu.memory_space<hbm>>
      %dma_start3A_307 = arith.constant 48 : i32
      %dma_start3A_308 = arith.constant 0 : i32
      %dma_start3A_309 = tpu.memref_slice %arg4[%add3A_285, %dma_start3A_307, %dma_start3A_308] : memref<4096x56x512xf32, #tpu.memory_space<hbm>> -> memref<1x2x512xf32, #tpu.memory_space<hbm>>
      %dma_start3A_310 = tpu.memref_squeeze %dma_start3A_309 : memref<1x2x512xf32, #tpu.memory_space<hbm>> -> memref<2x512xf32, #tpu.memory_space<hbm>>
      %dma_start3A_311 = arith.constant 48 : i32
      %dma_start3A_312 = arith.constant 0 : i32
      %dma_start3A_313 = tpu.memref_slice %arg9[%dma_start3A_311, %dma_start3A_312] : memref<56x512xf32, #tpu.memory_space<vmem>> -> memref<2x512xf32, #tpu.memory_space<vmem>>
      tpu.enqueue_dma source(%dma_start3A_313 : memref<2x512xf32, #tpu.memory_space<vmem>>) target(%dma_start3A_310 : memref<2x512xf32, #tpu.memory_space<hbm>>) target_semaphore(%arg17 : memref<!tpu.dma_semaphore, #tpu.memory_space<semaphore_mem>>)
    }
    %scan3A_13 = arith.constant 32 : i32
    %add3A_14 = arith.constant 125 : i32
    %add3A_15 = arith.addi %mul3A_2, %add3A_14 : i32
    %add3A_16 = arith.constant 125 : i32
    %add3A_17 = arith.addi %mul3A_2, %add3A_16 : i32
    %dma_wait3A = arith.constant 0 : i32
    %dma_wait3A_18 = arith.constant 0 : i32
    %dma_wait3A_19 = tpu.memref_slice %arg7[%dma_wait3A, %dma_wait3A_18] : memref<56x512xf32, #tpu.memory_space<vmem>> -> memref<48x512xf32, #tpu.memory_space<vmem>>
    %dma_wait3A_20 = arith.constant 0 : i32
    %dma_wait3A_21 = arith.constant 0 : i32
    %dma_wait3A_22 = tpu.memref_slice %arg4[%add3A_15, %dma_wait3A_20, %dma_wait3A_21] : memref<4096x56x512xf32, #tpu.memory_space<hbm>> -> memref<1x48x512xf32, #tpu.memory_space<hbm>>
    %dma_wait3A_23 = tpu.memref_squeeze %dma_wait3A_22 : memref<1x48x512xf32, #tpu.memory_space<hbm>> -> memref<48x512xf32, #tpu.memory_space<hbm>>
    %dma_wait3A_24 = arith.constant 0 : i32
    %dma_wait3A_25 = arith.constant 0 : i32
    %dma_wait3A_26 = tpu.memref_slice %arg4[%add3A_15, %dma_wait3A_24, %dma_wait3A_25] : memref<4096x56x512xf32, #tpu.memory_space<hbm>> -> memref<1x48x512xf32, #tpu.memory_space<hbm>>
    %dma_wait3A_27 = tpu.memref_squeeze %dma_wait3A_26 : memref<1x48x512xf32, #tpu.memory_space<hbm>> -> memref<48x512xf32, #tpu.memory_space<hbm>>
    %dma_wait3A_28 = arith.constant 0 : i32
    %dma_wait3A_29 = arith.constant 0 : i32
    %dma_wait3A_30 = tpu.memref_slice %arg7[%dma_wait3A_28, %dma_wait3A_29] : memref<56x512xf32, #tpu.memory_space<vmem>> -> memref<48x512xf32, #tpu.memory_space<vmem>>
    tpu.wait_dma2 semaphore(%arg15 : memref<!tpu.dma_semaphore, #tpu.memory_space<semaphore_mem>>) src(%dma_wait3A_30 : memref<48x512xf32, #tpu.memory_space<vmem>>) dst(%dma_wait3A_27 : memref<48x512xf32, #tpu.memory_space<hbm>>)
    %dma_wait3A_31 = arith.constant 48 : i32
    %dma_wait3A_32 = arith.constant 0 : i32
    %dma_wait3A_33 = tpu.memref_slice %arg7[%dma_wait3A_31, %dma_wait3A_32] : memref<56x512xf32, #tpu.memory_space<vmem>> -> memref<2x512xf32, #tpu.memory_space<vmem>>
    %dma_wait3A_34 = arith.constant 48 : i32
    %dma_wait3A_35 = arith.constant 0 : i32
    %dma_wait3A_36 = tpu.memref_slice %arg4[%add3A_17, %dma_wait3A_34, %dma_wait3A_35] : memref<4096x56x512xf32, #tpu.memory_space<hbm>> -> memref<1x2x512xf32, #tpu.memory_space<hbm>>
    %dma_wait3A_37 = tpu.memref_squeeze %dma_wait3A_36 : memref<1x2x512xf32, #tpu.memory_space<hbm>> -> memref<2x512xf32, #tpu.memory_space<hbm>>
    %dma_wait3A_38 = arith.constant 48 : i32
    %dma_wait3A_39 = arith.constant 0 : i32
    %dma_wait3A_40 = tpu.memref_slice %arg4[%add3A_17, %dma_wait3A_38, %dma_wait3A_39] : memref<4096x56x512xf32, #tpu.memory_space<hbm>> -> memref<1x2x512xf32, #tpu.memory_space<hbm>>
    %dma_wait3A_41 = tpu.memref_squeeze %dma_wait3A_40 : memref<1x2x512xf32, #tpu.memory_space<hbm>> -> memref<2x512xf32, #tpu.memory_space<hbm>>
    %dma_wait3A_42 = arith.constant 48 : i32
    %dma_wait3A_43 = arith.constant 0 : i32
    %dma_wait3A_44 = tpu.memref_slice %arg7[%dma_wait3A_42, %dma_wait3A_43] : memref<56x512xf32, #tpu.memory_space<vmem>> -> memref<2x512xf32, #tpu.memory_space<vmem>>
    tpu.wait_dma2 semaphore(%arg15 : memref<!tpu.dma_semaphore, #tpu.memory_space<semaphore_mem>>) src(%dma_wait3A_44 : memref<2x512xf32, #tpu.memory_space<vmem>>) dst(%dma_wait3A_41 : memref<2x512xf32, #tpu.memory_space<hbm>>)
    %add3A_45 = arith.constant 126 : i32
    %add3A_46 = arith.addi %mul3A_2, %add3A_45 : i32
    %add3A_47 = arith.constant 126 : i32
    %add3A_48 = arith.addi %mul3A_2, %add3A_47 : i32
    %dma_wait3A_49 = arith.constant 0 : i32
    %dma_wait3A_50 = arith.constant 0 : i32
    %dma_wait3A_51 = tpu.memref_slice %arg8[%dma_wait3A_49, %dma_wait3A_50] : memref<56x512xf32, #tpu.memory_space<vmem>> -> memref<48x512xf32, #tpu.memory_space<vmem>>
    %dma_wait3A_52 = arith.constant 0 : i32
    %dma_wait3A_53 = arith.constant 0 : i32
    %dma_wait3A_54 = tpu.memref_slice %arg4[%add3A_46, %dma_wait3A_52, %dma_wait3A_53] : memref<4096x56x512xf32, #tpu.memory_space<hbm>> -> memref<1x48x512xf32, #tpu.memory_space<hbm>>
    %dma_wait3A_55 = tpu.memref_squeeze %dma_wait3A_54 : memref<1x48x512xf32, #tpu.memory_space<hbm>> -> memref<48x512xf32, #tpu.memory_space<hbm>>
    %dma_wait3A_56 = arith.constant 0 : i32
    %dma_wait3A_57 = arith.constant 0 : i32
    %dma_wait3A_58 = tpu.memref_slice %arg4[%add3A_46, %dma_wait3A_56, %dma_wait3A_57] : memref<4096x56x512xf32, #tpu.memory_space<hbm>> -> memref<1x48x512xf32, #tpu.memory_space<hbm>>
    %dma_wait3A_59 = tpu.memref_squeeze %dma_wait3A_58 : memref<1x48x512xf32, #tpu.memory_space<hbm>> -> memref<48x512xf32, #tpu.memory_space<hbm>>
    %dma_wait3A_60 = arith.constant 0 : i32
    %dma_wait3A_61 = arith.constant 0 : i32
    %dma_wait3A_62 = tpu.memref_slice %arg8[%dma_wait3A_60, %dma_wait3A_61] : memref<56x512xf32, #tpu.memory_space<vmem>> -> memref<48x512xf32, #tpu.memory_space<vmem>>
    tpu.wait_dma2 semaphore(%arg16 : memref<!tpu.dma_semaphore, #tpu.memory_space<semaphore_mem>>) src(%dma_wait3A_62 : memref<48x512xf32, #tpu.memory_space<vmem>>) dst(%dma_wait3A_59 : memref<48x512xf32, #tpu.memory_space<hbm>>)
    %dma_wait3A_63 = arith.constant 48 : i32
    %dma_wait3A_64 = arith.constant 0 : i32
    %dma_wait3A_65 = tpu.memref_slice %arg8[%dma_wait3A_63, %dma_wait3A_64] : memref<56x512xf32, #tpu.memory_space<vmem>> -> memref<2x512xf32, #tpu.memory_space<vmem>>
    %dma_wait3A_66 = arith.constant 48 : i32
    %dma_wait3A_67 = arith.constant 0 : i32
    %dma_wait3A_68 = tpu.memref_slice %arg4[%add3A_48, %dma_wait3A_66, %dma_wait3A_67] : memref<4096x56x512xf32, #tpu.memory_space<hbm>> -> memref<1x2x512xf32, #tpu.memory_space<hbm>>
    %dma_wait3A_69 = tpu.memref_squeeze %dma_wait3A_68 : memref<1x2x512xf32, #tpu.memory_space<hbm>> -> memref<2x512xf32, #tpu.memory_space<hbm>>
    %dma_wait3A_70 = arith.constant 48 : i32
    %dma_wait3A_71 = arith.constant 0 : i32
    %dma_wait3A_72 = tpu.memref_slice %arg4[%add3A_48, %dma_wait3A_70, %dma_wait3A_71] : memref<4096x56x512xf32, #tpu.memory_space<hbm>> -> memref<1x2x512xf32, #tpu.memory_space<hbm>>
    %dma_wait3A_73 = tpu.memref_squeeze %dma_wait3A_72 : memref<1x2x512xf32, #tpu.memory_space<hbm>> -> memref<2x512xf32, #tpu.memory_space<hbm>>
    %dma_wait3A_74 = arith.constant 48 : i32
    %dma_wait3A_75 = arith.constant 0 : i32
    %dma_wait3A_76 = tpu.memref_slice %arg8[%dma_wait3A_74, %dma_wait3A_75] : memref<56x512xf32, #tpu.memory_space<vmem>> -> memref<2x512xf32, #tpu.memory_space<vmem>>
    tpu.wait_dma2 semaphore(%arg16 : memref<!tpu.dma_semaphore, #tpu.memory_space<semaphore_mem>>) src(%dma_wait3A_76 : memref<2x512xf32, #tpu.memory_space<vmem>>) dst(%dma_wait3A_73 : memref<2x512xf32, #tpu.memory_space<hbm>>)
    %add3A_77 = arith.constant 127 : i32
    %add3A_78 = arith.addi %mul3A_2, %add3A_77 : i32
    %add3A_79 = arith.constant 127 : i32
    %add3A_80 = arith.addi %mul3A_2, %add3A_79 : i32
    %dma_wait3A_81 = arith.constant 0 : i32
    %dma_wait3A_82 = arith.constant 0 : i32
    %dma_wait3A_83 = tpu.memref_slice %arg9[%dma_wait3A_81, %dma_wait3A_82] : memref<56x512xf32, #tpu.memory_space<vmem>> -> memref<48x512xf32, #tpu.memory_space<vmem>>
    %dma_wait3A_84 = arith.constant 0 : i32
    %dma_wait3A_85 = arith.constant 0 : i32
    %dma_wait3A_86 = tpu.memref_slice %arg4[%add3A_78, %dma_wait3A_84, %dma_wait3A_85] : memref<4096x56x512xf32, #tpu.memory_space<hbm>> -> memref<1x48x512xf32, #tpu.memory_space<hbm>>
    %dma_wait3A_87 = tpu.memref_squeeze %dma_wait3A_86 : memref<1x48x512xf32, #tpu.memory_space<hbm>> -> memref<48x512xf32, #tpu.memory_space<hbm>>
    %dma_wait3A_88 = arith.constant 0 : i32
    %dma_wait3A_89 = arith.constant 0 : i32
    %dma_wait3A_90 = tpu.memref_slice %arg4[%add3A_78, %dma_wait3A_88, %dma_wait3A_89] : memref<4096x56x512xf32, #tpu.memory_space<hbm>> -> memref<1x48x512xf32, #tpu.memory_space<hbm>>
    %dma_wait3A_91 = tpu.memref_squeeze %dma_wait3A_90 : memref<1x48x512xf32, #tpu.memory_space<hbm>> -> memref<48x512xf32, #tpu.memory_space<hbm>>
    %dma_wait3A_92 = arith.constant 0 : i32
    %dma_wait3A_93 = arith.constant 0 : i32
    %dma_wait3A_94 = tpu.memref_slice %arg9[%dma_wait3A_92, %dma_wait3A_93] : memref<56x512xf32, #tpu.memory_space<vmem>> -> memref<48x512xf32, #tpu.memory_space<vmem>>
    tpu.wait_dma2 semaphore(%arg17 : memref<!tpu.dma_semaphore, #tpu.memory_space<semaphore_mem>>) src(%dma_wait3A_94 : memref<48x512xf32, #tpu.memory_space<vmem>>) dst(%dma_wait3A_91 : memref<48x512xf32, #tpu.memory_space<hbm>>)
    %dma_wait3A_95 = arith.constant 48 : i32
    %dma_wait3A_96 = arith.constant 0 : i32
    %dma_wait3A_97 = tpu.memref_slice %arg9[%dma_wait3A_95, %dma_wait3A_96] : memref<56x512xf32, #tpu.memory_space<vmem>> -> memref<2x512xf32, #tpu.memory_space<vmem>>
    %dma_wait3A_98 = arith.constant 48 : i32
    %dma_wait3A_99 = arith.constant 0 : i32
    %dma_wait3A_100 = tpu.memref_slice %arg4[%add3A_80, %dma_wait3A_98, %dma_wait3A_99] : memref<4096x56x512xf32, #tpu.memory_space<hbm>> -> memref<1x2x512xf32, #tpu.memory_space<hbm>>
    %dma_wait3A_101 = tpu.memref_squeeze %dma_wait3A_100 : memref<1x2x512xf32, #tpu.memory_space<hbm>> -> memref<2x512xf32, #tpu.memory_space<hbm>>
    %dma_wait3A_102 = arith.constant 48 : i32
    %dma_wait3A_103 = arith.constant 0 : i32
    %dma_wait3A_104 = tpu.memref_slice %arg4[%add3A_80, %dma_wait3A_102, %dma_wait3A_103] : memref<4096x56x512xf32, #tpu.memory_space<hbm>> -> memref<1x2x512xf32, #tpu.memory_space<hbm>>
    %dma_wait3A_105 = tpu.memref_squeeze %dma_wait3A_104 : memref<1x2x512xf32, #tpu.memory_space<hbm>> -> memref<2x512xf32, #tpu.memory_space<hbm>>
    %dma_wait3A_106 = arith.constant 48 : i32
    %dma_wait3A_107 = arith.constant 0 : i32
    %dma_wait3A_108 = tpu.memref_slice %arg9[%dma_wait3A_106, %dma_wait3A_107] : memref<56x512xf32, #tpu.memory_space<vmem>> -> memref<2x512xf32, #tpu.memory_space<vmem>>
    tpu.wait_dma2 semaphore(%arg17 : memref<!tpu.dma_semaphore, #tpu.memory_space<semaphore_mem>>) src(%dma_wait3A_108 : memref<2x512xf32, #tpu.memory_space<vmem>>) dst(%dma_wait3A_105 : memref<2x512xf32, #tpu.memory_space<hbm>>)
    return
  }
}

</mosaic_0001>

<sc_bundles>
// kernel: kernel.3.cloned.1.call-start
scs
__scs_entry_jumppad:
0x0: {  	(pc) =	sbr.rel $0x88, $3  }
0x1: {  	(tag) =	ssettag $0x0;
	lr =	simm.s32 $0x1  }
0x2: {  	[smem:$0x3F9F] =	sst lr;
	_ =	strace $0xD0000000  }
0x3: {  	_ = 	snop  }
0x4: {  	_ = 	snop  }
0x5: {  	_ = 	snop  }
0x6: {  	_ = 	snop  }
0x7: {  	_ = 	snop  }
__scs_overlays_trampoline_lowered:
0x8: {  	[smem:$0x3FAE] =	sst s0  }
0x9: {  	[smem:$0x3FAF] =	sst s1  }
0xa: {  	[smem:$0x3FB0] =	sst s2  }
0xb: {  	[smem:$0x3FB1] =	sst s3  }
0xc: {  	[smem:$0x3FB2] =	sst s4  }
0xd: {  	[smem:$0x3FB3] =	sst s5  }
0xe: {  	[smem:$0x3FB4] =	sst s6  }
0xf: {  	[smem:$0x3FB5] =	sst s7  }
0x10: {  	[smem:$0x3FB6] =	sst s8  }
0x11: {  	[smem:$0x3FB7] =	sst s9;
	s0 =	simm.s32 @!p0 $0x0  }
0x12: {  	s1 =	sld [smem:$0x3F9D];
	s0 =	simm.s32 @p0 $0x1  }
0x13: {  	[smem:$0x3FB8] =	sst s0;
	s0 =	simm.s32 @!p1 $0x0  }
0x14: {  	s2 =	sld [smem:$0x3F9C];
	s0 =	simm.s32 @p1 $0x1  }
0x15: {  	[smem:$0x3FB9] =	sst s0;
	s0 =	simm.s32 @!p2 $0x0  }
0x16: {  	s3 =	sld [smem:$0x3FDB];
	s0 =	simm.s32 @p2 $0x1  }
0x17: {  	s4 =	simm.s32 $0x1BF5;
	[smem:$0x3FBB] =	sst s0  }
0x18: {  	s0 =	sld [smem:$0x3F9E];
	_ =	swait.ge [sflag:s4], $0x0  }
0x19: {  	s7 =	sld [smem:$0x3F9F]  }
0x1a: {  	s8 =	sadd.s32 $0xFFFFE003, lr  }
0x1b: {  	s9 =	sadd.s32 $0xFFFFFEF7, lr;
	s5 =	simm.s32 $0xFFFFFFFF;
	p2 =	slt.u32 s8, $0xFFFFF086  }
0x1c: {  	p1 =	slt.u32 s9, $0xF7A;
	s5 =	simm.s32 @!p2 $0x0  }
0x1d: {  	s5 =	simm.s32 @p1 $0x1;
	p0 =	seq.s32 s7, s2  }
0x1e: {  	s7 =	smul.u32 @!p0 $0xF7A, s2;
	p2 =	seq.s32 @!p0 s5, $0x0  }
0x1f: {  	s9 =	smul.u32 $0xF7A, s1;
	s8 =	simm.s32 @!p0 $0x1BF5;
	p2 =	por !p2, p0  }
0x20: {  	[sflag:s8] =	ssyncset.s32 @!p0 $0xFFFFF086;
	s6 =	sadd.s32 @!p0 s3, s7;
	s7 =	simm.s32 @!p0 $0x108  }
0x21: {  	s3 =	sadd.s32 s3, s9;
	s6 =	sadd.s32 @!p0 $0x88, s6;
	s7 =	simm.s32 @p2 $0x1082  }
0x22: {  	[simem:s7], [sflag:s8] =	dma.local @!p0 [hbm:s6], $0xF7A  }
0x23: {  	s9 =	sor.u32 $0xD0000000, s2;
	s6 =	simm.s32 $0x108;
	_ =	swait.ge @!p0 [sflag:s8], $0x0  }
0x24: {  	s3 =	sadd.s32 $0x88, s3;
	s6 =	simm.s32 @!p1 $0x1082;
	[sflag:s4] =	ssyncset.s32 $0xFFFFF086  }
0x25: {  	[simem:s6], [sflag:s4] =	dma.local [hbm:s3], $0xF7A  }
0x26: {  	[smem:$0x3F9F] =	sst s1;
	(tag) =	ssettag s2;
	_ =	strace s9  }
0x27: {  	s1 =	sld [smem:$0x3FAF]  }
0x28: {  	s2 =	sld [smem:$0x3FB0]  }
0x29: {  	s4 =	sld [smem:$0x3FB2]  }
0x2a: {  	p0 =	seq.s32 s5, $0x0;
	s5 =	sld [smem:$0x3FB3]  }
0x2b: {  	s6 =	sld [smem:$0x3FB4]  }
0x2c: {  	s7 =	sld [smem:$0x3FB5]  }
0x2d: {  	s3 =	simm.s32 $0x108;
	s8 =	sld [smem:$0x3FB6]  }
0x2e: {  	s3 =	simm.s32 @!p0 $0x1082;
	s9 =	sld [smem:$0x3FB7]  }
0x2f: {  	lr =	sadd.s32 s0, s3;
	s0 =	sld [smem:$0x3FAE]  }
0x30: {  	s3 =	sld [smem:$0x3FB1]  }
0x31: {  	[smem:$0x3FBA] =	sst s10  }
0x32: {  	s10 =	sld [smem:$0x3FB8];
	_ =	sdelay $0x3  }
0x33: {  	p0 =	seq.s32 s10, $0x1;
	s10 =	sld [smem:$0x3FBA];
	_ =	sdelay $0x3  }
0x34: {  	[smem:$0x3FBA] =	sst s10  }
0x35: {  	s10 =	sld [smem:$0x3FB9];
	_ =	sdelay $0x3  }
0x36: {  	p1 =	seq.s32 s10, $0x1;
	s10 =	sld [smem:$0x3FBA];
	_ =	sdelay $0x3  }
0x37: {  	[smem:$0x3FBA] =	sst s10  }
0x38: {  	s10 =	sld [smem:$0x3FBB]  }
0x39: {  	_ = 	snop;
	(pc) =	sbr.ind lr, $3  }
0x3a: {  	_ = 	snop  }
0x3b: {  	_ = 	snop  }
0x3c: {  	p2 =	seq.s32 s10, $0x1;
	s10 =	sld [smem:$0x3FBA]  }
0x3d: {  	_ =	shalt  }
0x3e: {  	_ =	shalt  }
0x3f: {  	_ =	shalt  }
0x40: {  	_ =	shalt  }
0x41: {  	_ =	shalt  }
0x42: {  	_ =	shalt  }
0x43: {  	_ =	shalt  }
0x44: {  	_ =	shalt  }
0x45: {  	_ =	shalt  }
0x46: {  	_ =	shalt  }
0x47: {  	_ =	shalt  }
0x48: {  	_ =	shalt  }
0x49: {  	_ =	shalt  }
0x4a: {  	_ =	shalt  }
0x4b: {  	_ =	shalt  }
0x4c: {  	_ =	shalt  }
0x4d: {  	_ =	shalt  }
0x4e: {  	_ =	shalt  }
0x4f: {  	_ =	shalt  }
0x50: {  	_ =	shalt  }
0x51: {  	_ =	shalt  }
0x52: {  	_ =	shalt  }
0x53: {  	_ =	shalt  }
0x54: {  	_ =	shalt  }
0x55: {  	_ =	shalt  }
0x56: {  	_ =	shalt  }
0x57: {  	_ =	shalt  }
0x58: {  	_ =	shalt  }
0x59: {  	_ =	shalt  }
0x5a: {  	_ =	shalt  }
0x5b: {  	_ =	shalt  }
0x5c: {  	_ =	shalt  }
0x5d: {  	_ =	shalt  }
0x5e: {  	_ =	shalt  }
0x5f: {  	_ =	shalt  }
0x60: {  	_ =	shalt  }
0x61: {  	_ =	shalt  }
0x62: {  	_ =	shalt  }
0x63: {  	_ =	shalt  }
0x64: {  	_ =	shalt  }
0x65: {  	_ =	shalt  }
0x66: {  	_ =	shalt  }
0x67: {  	_ =	shalt  }
0x68: {  	_ =	shalt  }
0x69: {  	_ =	shalt  }
0x6a: {  	_ =	shalt  }
0x6b: {  	_ =	shalt  }
0x6c: {  	_ =	shalt  }
0x6d: {  	_ =	shalt  }
0x6e: {  	_ =	shalt  }
0x6f: {  	_ =	shalt  }
0x70: {  	_ =	shalt  }
0x71: {  	_ =	shalt  }
0x72: {  	_ =	shalt  }
0x73: {  	_ =	shalt  }
0x74: {  	_ =	shalt  }
0x75: {  	_ =	shalt  }
0x76: {  	_ =	shalt  }
0x77: {  	_ =	shalt  }
0x78: {  	_ =	shalt  }
0x79: {  	_ =	shalt  }
0x7a: {  	_ =	shalt  }
0x7b: {  	_ =	shalt  }
0x7c: {  	_ =	shalt  }
0x7d: {  	_ =	shalt  }
0x7e: {  	_ =	shalt  }
0x7f: {  	_ =	shalt  }
0x80: {  	_ =	shalt  }
0x81: {  	_ =	shalt  }
0x82: {  	_ =	shalt  }
0x83: {  	_ =	shalt  }
0x84: {  	_ =	shalt  }
0x85: {  	_ =	shalt  }
0x86: {  	_ =	shalt  }
0x87: {  	_ =	shalt  }
.Lfunc_end0:
.L_simem_size_0:
called_computation.1_lowered:
.L_overlay_start_0:
0x88: {  	s2 =	sld [smem:$0x3FD9]  }
0x89: {  	s3 =	sld [smem:$0x3FFE];
	_ =	sdelay $0x1  }
0x8a: {  	s1 =	srdreg.scid  }
0x8b: {  	s0 =	sand.u32 $0x1, s1  }
0x8c: {  	s17 =	sshll.u32 s0, $0xA;
	s2 =	sadd.s32 s3, s2  }
0x8d: {  	s2 =	sadd.s32 s2, s17  }
0x8e: {  	[smem:$0x3FC6] =	sst s2  }
0x8f: {  	_ = 	snop  }
0x90: {  	s2 =	sld [smem:$0x3FC8]  }
0x91: {  	s18 =	sld [smem:$0x3FD0];
	(tm) =	ssettm $0x1  }
0x92: {  	s4 =	sld [smem:$0x3FFB];
	_ =	sdelay $0x3  }
0x93: {  	_ =	strace s4  }
0x94: {  	s4 =	sld [smem:$0x3FFC];
	_ =	sdelay $0x3  }
0x95: {  	_ =	strace s4  }
0x96: {  	s4 =	sld [smem:$0x3FFD];
	_ =	sdelay $0x3  }
0x97: {  	_ =	strace s4  }
0x98: {  	_ =	strace $0x8FFFFFFF  }
0x99: {  	s19 =	sld [smem:$0x3FDB];
	_ =	sdelay $0x1  }
0x9a: {  	s5 =	simm.s32 $_scs_section_size  }
0x9b: {  	s6 =	simm.s32 $_size__tile_overlayer_lowered;
	s7 =	simm.s32 $_tile_overlayer_lowered  }
0x9c: {  	s22 =	simm.s32 $0x1BFF;
	s21 =	sshll.u32 s7, $0x1;
	s4 =	sadd.s32 s5, s19  }
0x9d: {  	s8 =	simm.s32 $0x0;
	s20 =	sshll.u32 s6, $0x1;
	s6 =	sadd.s32 s21, s4  }
0x9e: {  	[timem:s8], [sflag:s22] =	dma.local [hbm:s6], s20  }
0x9f: {  	_ =	swait.ge [sflag:s22], s20  }
0xa0: {  	s5 =	ssub.s32 $0x0, s20;
	[sflag:s22] =	ssyncset.done $0x0  }
0xa1: {  	[sflag:s22] =	ssyncadd.s32 s5;
	_ =	sdelay $0x1  }
0xa2: {  	s23 =	simm.s32 $0x1B8B  }
0xa3: {  	_ =	swait.ge [sflag:s23], $0x1  }
0xa4: {  	[sflag:s23] =	ssyncset.done $0x0  }
0xa5: {  	s25 =	simm.s32 $0x1B8E;
	s24 =	sld [smem:$0x3FFE];
	[sflag:s23] =	ssyncadd.s32 $0xFFFFFFFF  }
0xa6: {  	s26 =	simm.s32 $execute0_lowered;
	[smem:$0x3FD2] =	sst s25  }
0xa7: {  	s6 =	sshll.u32 s26, $0x1;
	_ =	strace $0x80000046;
	[dreg:$0x1] =	wrdreg $0xFFFFFFFF  }
0xa8: {  	s28 =	simm.s32 $_size_execute0_lowered;
	s4 =	sadd.s32 s4, s6;
	[dreg:$0x0] =	wrdreg $0x0  }
0xa9: {  	s6 =	sshll.u32 s28, $0x1;
	[dreg:$0x2] =	wrdreg s4  }
0xaa: {  	[dreg:$0x3] =	wrdreg s6  }
0xab: {  	[dreg:$0x4] =	wrdreg $0xC0  }
0xac: {  	_ =	task [dreg:s8], $0x5FFFF  }
0xad: {  	[dreg:$0x1] =	wrdreg $0xFFFFFFFF  }
0xae: {  	[dreg:$0x0] =	wrdreg $0x60  }
0xaf: {  	[dreg:$0x2] =	wrdreg s2  }
0xb0: {  	[dreg:$0x3] =	wrdreg s18  }
0xb1: {  	[dreg:$0x4] =	wrdreg s24  }
0xb2: {  	[dreg:$0x5] =	wrdreg $0x9  }
0xb3: {  	_ =	task.clear_ibuf [dreg:s8], $0x6FFFF;
	_ =	strace $0x90000046  }
0xb4: {  	s29 =	simm.s32 $0x9;
	_ =	strace $0x80000048  }
0xb5: {  	_ =	swait.ge [sflag:s29], $0x1  }
0xb6: {  	[sflag:s29] =	ssyncadd.s32 $0xFFFFFFFF  }
0xb7: {  	_ =	strace $0x90000048  }
0xb8: {  	_ =	sfence  }
0xb9: {  	s30 =	sld [smem:$0x0];
	_ =	sdelay $0x2  }
0xba: {  	s31 =	sshll.u32 s1, $0xD;
	s1 =	sshrl.u32 s1, $0x2  }
0xbb: {  	s3 =	sand.u32 $0x4000, s31;
	s1 =	sadd.s32 s1, s30  }
0xbc: {  	s0 =	sor.u32 s3, s0;
	s1 =	sshll.u32 s1, $0x11  }
0xbd: {  	s0 =	sor.u32 s1, s0  }
0xbe: {  	s0 =	sadd.s32 $0x8F2B, s0  }
0xbf: {  	[sflag:s0] =	ssyncadd.remote.s32 $0x1  }
0xc0: {  	_ =	sfence.sel $0xFFFF  }
0xc1: {  	[dreg:$0x0] =	wrdreg $0xFFFFFFFF;
	(pc) =	sbr.abs _section_cstart, $3  }
0xc2: {  	[dreg:$0x1] =	wrdreg $0xFFFFFFFF  }
0xc3: {  	_ =	task.clear_ibuf [dreg:s8], $0x2FFFF;
	_ =	strace $0x9FFFFFFF  }
0xc4: {  	(tm) =	ssettm $0x7FFFFFFF  }
0xc5: {  	_ =	shalt  }
tec
execute0_lowered:
.L_overlay_start_1:
0x0: {  	(tag) =	ssettag $0x1  }
0x1: {  	s1 =	rddreg [dreg:$0x0]  }
0x2: {  	s0 =	rddreg [dreg:$0x1];
	s2 =	srdreg.scid  }
0x3: {  	s9 =	stileid.u32;
	s4 =	rddreg [dreg:$0x2];
	s3 =	simm.s32 $0x0  }
0x4: {  	s28 =	simm.s32 $0x8400;
	s29 =	simm.s32 $0x8C00;
	s18 =	simm.s32 $0x15C00  }
0x5: {  	s31 =	simm.s32 $0x16C00;
	s16 =	simm.s32 $0x5;
	s17 =	simm.s32 $0x4  }
0x6: {  	s14 =	simm.s32 $0x0;
	s2 =	sand.u32 $0x1, s2;
	s8 =	smul.u32 $0x700000, s9  }
0x7: {  	s5 =	sshll.u32 s9, $0x1;
	[smem:$0x7FF] =	sst s3;
	s20 =	smul.u32 $0xE0000, s9  }
0x8: {  	s5 =	sor.u32 s2, s5;
	s6 =	ssub.s32 $0x2, s2;
	s19 =	smul.u32 $0x380000, s2  }
0x9: {  	s4 =	sadd.s32 $0x800, s4;
	s5 =	smul.u32 $0x380, s5;
	s7 =	sshrl.u32 s6, $0x1  }
0xa: {  	_ =	strace $0x80000047;
	s2 =	smul.u32 $0x70000, s2;
	s6 =	ssub.s32 s6, s7  }
0xb: {  	s21 =	sadd.s32 s19, s8;
	s19 =	simm.s32 $0xEC00;
	s0 =	sadd.s32 s0, s5  }
0xc: {  	s5 =	sadd.s32 $0x100, s1;
	s6 =	smax.u32 s6, $0x1;
	s8 =	sor.u32 $0xD000, s21  }
0xd: {  	s22 =	sor.u32 $0x6000, s21;
	s25 =	sor.u32 $0x1B000, s21;
	[dreg:$0x4] =	wrdreg s0  }
0xe: {  	s26 =	sshrl.u32 s21, $0x3;
	[dreg:$0x5] =	wrdreg s6;
	s0 =	sadd.s32 s20, s4  }
0xf: {  	s23 =	sshrl.u32 s8, $0x3;
	s24 =	sshrl.u32 s22, $0x3;
	s6 =	sor.u32 $0x14000, s21  }
0x10: {  	s10 =	sadd.s32 s26, s4;
	s26 =	simm.s32 $0x7C00;
	s20 =	simm.s32 $0xF400  }
.Ltmp0:
0x11: {  	s21 =	simm.s32 $0x1;
	s22 =	simm.s32 $0x16400;
	(pc) =	sbr.rel .LBB2_1-.Ltmp0, $4  }
0x12: {  	s7 =	sadd.s32 s2, s0;
	s8 =	sadd.s32 s23, s4;
	s9 =	sadd.s32 s24, s4  }
0x13: {  	v2 =	vlaneseq.u32;
	s0 =	sshrl.u32 s25, $0x3;
	s30 =	sshrl.u32 s6, $0x3;
	s24 =	simm.s32 $0xFC00  }
0x14: {  	vm0 =	vmmov $0xffff;
	v1 =	vshrl.u32 v2, $0x3;
	s23 =	simm.s32 $0x2;
	s6 =	simm.s32 $0x3;
	s11 =	sadd.s32 s0, s4  }
0x15: {  	v0 =	vand.u32 $0x7, v2;
	v2 =	vor.u32 $0x8, v2;
	v1 =	vmul.u32 $0x8, v1;
	s12 =	sadd.s32 s30, s4;
	s0 =	simm.s32 $0x1CC00;
	s4 =	simm.s32 $0x1D400  }
.LBB2_5:
0x16: {  	s2 =	simm.s32 $0x6  }
0x17: {  	_ =	swait.ge [sflag:s2], $0x6000  }
0x18: {  	[sflag:s2] =	ssyncset.done $0x0  }
0x19: {  	[sflag:s2] =	ssyncadd.s32 $0xFFFFA000  }
0x1a: {  	_ =	swait.ge [sflag:s2], $0x400  }
0x1b: {  	[sflag:s2] =	ssyncset.done $0x0  }
0x1c: {  	s25 =	simm.s32 $0x7;
	[sflag:s2] =	ssyncadd.s32 $0xFFFFFC00  }
0x1d: {  	_ =	swait.ge [sflag:s25], $0x6000  }
0x1e: {  	[sflag:s25] =	ssyncset.done $0x0  }
0x1f: {  	[sflag:s25] =	ssyncadd.s32 $0xFFFFA000  }
0x20: {  	_ =	swait.ge [sflag:s25], $0x400  }
0x21: {  	[sflag:s25] =	ssyncset.done $0x0  }
0x22: {  	s13 =	simm.s32 $0x8;
	[sflag:s25] =	ssyncadd.s32 $0xFFFFFC00  }
0x23: {  	_ =	swait.ge [sflag:s13], $0x6000  }
0x24: {  	[sflag:s13] =	ssyncset.done $0x0  }
0x25: {  	[sflag:s13] =	ssyncadd.s32 $0xFFFFA000  }
0x26: {  	_ =	swait.ge [sflag:s13], $0x400  }
0x27: {  	s14 =	rddreg [dreg:$0x6]  }
0x28: {  	s30 =	rddreg [dreg:$0x5];
	s14 =	sadd.s32 $0x1, s14  }
0x29: {  	p0 =	sne.s32 s14, s30  }
.Ltmp1:
0x2a: {  	_ = 	snop;
	(pc) =	sbr.rel @!p0 .LBB2_6-.Ltmp1, $3  }
0x2b: {  	_ =	sdelay $0x1  }
0x2c: {  	[sflag:s13] =	ssyncset.done $0x0  }
0x2d: {  	[sflag:s13] =	ssyncadd.s32 $0xFFFFFC00  }
.LBB2_1:
0x2e: {  	[dreg:$0x6] =	wrdreg s14  }
0x2f: {  	s2 =	rddreg [dreg:$0x4];
	s15 =	simm.s32 $0x9  }
0x30: {  	[tilespmem:s3], [sflag:$0x9] =	stream.linear.gather [hbm4b:s2+s3], $0x1C00, $0x38;
	[tilespmem:$0x1DC00] =	vst v63  }
0x31: {  	_ =	swait.ge [sflag:s15], $0x1C00  }
0x32: {  	[sflag:s15] =	ssyncset.done $0x0  }
0x33: {  	[sflag:s15] =	ssyncadd.s32 $0xFFFFE400  }
0x34: {  	v3 =	vld [tilespmem:$0x0];
	_ =	sdelay $0x4  }
0x35: {  	v4 =	vshll.u32 v3, $0x2  }
0x36: {  	v3 =	vand.u32 $0x7, v3;
	v4 =	vand.u32 $0xFFFFFFE0, v4  }
0x37: {  	v3 =	vor.u32 v3, v4  }
0x38: {  	v4 =	vperm.xlane v3, v0;
	_ =	sdelay $0x1  }
0x39: {  	v4 =	vadd.s32 v1, v4;
	_ =	sdelay $0x1  }
0x3a: {  	v3 =	vperm.xlane v3, v2;
	_ =	sdelay $0x1  }
0x3b: {  	s25 =	simm.s32 $0x1C00;
	v3 =	vadd.s32 v1, v3  }
0x3c: {  	[tilespmem:s25], [sflag:$0x1] =	stream.indirect_vreg.gather [hbm4b:s1+s3], $0x80, v4, vm0, $0xb8;
	[tilespmem:$0x1DC00] =	vst v63  }
0x3d: {  	s30 =	simm.s32 $0x2400  }
0x3e: {  	[tilespmem:s30], [sflag:$0x1] =	stream.indirect_vreg.gather [hbm4b:s5+s3], $0x80, v4, vm0, $0xb8;
	[tilespmem:$0x1DC00] =	vst v63  }
0x3f: {  	s13 =	simm.s32 $0x2C00  }
0x40: {  	[tilespmem:s13], [sflag:$0x1] =	stream.indirect_vreg.gather [hbm4b:s1+s3], $0x80, v3, vm0, $0xb8;
	[tilespmem:$0x1DC00] =	vst v63  }
0x41: {  	s14 =	simm.s32 $0x3400  }
0x42: {  	[tilespmem:s14], [sflag:$0x1] =	stream.indirect_vreg.gather [hbm4b:s5+s3], $0x80, v3, vm0, $0xb8;
	[tilespmem:$0x1DC00] =	vst v63  }
0x43: {  	v3 =	vld [tilespmem:$0x10];
	_ =	sdelay $0x4  }
0x44: {  	v61 =	vshll.u32 v3, $0x2  }
0x45: {  	v3 =	vand.u32 $0x7, v3;
	v4 =	vand.u32 $0xFFFFFFE0, v61  }
0x46: {  	v3 =	vor.u32 v3, v4  }
0x47: {  	v4 =	vperm.xlane v3, v0;
	_ =	sdelay $0x1  }
0x48: {  	v4 =	vadd.s32 v1, v4;
	_ =	sdelay $0x1  }
0x49: {  	v3 =	vperm.xlane v3, v2;
	_ =	sdelay $0x1  }
0x4a: {  	s15 =	simm.s32 $0x3C00;
	v3 =	vadd.s32 v1, v3  }
0x4b: {  	[tilespmem:s15], [sflag:$0x1] =	stream.indirect_vreg.gather [hbm4b:s1+s3], $0x80, v4, vm0, $0xb8;
	[tilespmem:$0x1DC00] =	vst v63  }
0x4c: {  	s25 =	simm.s32 $0x4400  }
0x4d: {  	[tilespmem:s25], [sflag:$0x1] =	stream.indirect_vreg.gather [hbm4b:s5+s3], $0x80, v4, vm0, $0xb8;
	[tilespmem:$0x1DC00] =	vst v63  }
0x4e: {  	s30 =	simm.s32 $0x4C00  }
0x4f: {  	[tilespmem:s30], [sflag:$0x1] =	stream.indirect_vreg.gather [hbm4b:s1+s3], $0x80, v3, vm0, $0xb8;
	[tilespmem:$0x1DC00] =	vst v63  }
0x50: {  	s13 =	simm.s32 $0x5400  }
0x51: {  	[tilespmem:s13], [sflag:$0x1] =	stream.indirect_vreg.gather [hbm4b:s5+s3], $0x80, v3, vm0, $0xb8;
	[tilespmem:$0x1DC00] =	vst v63  }
0x52: {  	v3 =	vld [tilespmem:$0x20];
	_ =	sdelay $0x4  }
0x53: {  	v62 =	vshll.u32 v3, $0x2  }
0x54: {  	v3 =	vand.u32 $0x7, v3;
	v4 =	vand.u32 $0xFFFFFFE0, v62  }
0x55: {  	v3 =	vor.u32 v3, v4  }
0x56: {  	v4 =	vperm.xlane v3, v0;
	_ =	sdelay $0x1  }
0x57: {  	v4 =	vadd.s32 v1, v4;
	_ =	sdelay $0x1  }
0x58: {  	v3 =	vperm.xlane v3, v2;
	_ =	sdelay $0x1  }
0x59: {  	s14 =	simm.s32 $0x5C00;
	v3 =	vadd.s32 v1, v3  }
0x5a: {  	[tilespmem:s14], [sflag:$0x1] =	stream.indirect_vreg.gather [hbm4b:s1+s3], $0x80, v4, vm0, $0xb8;
	[tilespmem:$0x1DC00] =	vst v63  }
0x5b: {  	s15 =	simm.s32 $0x6400  }
0x5c: {  	[tilespmem:s15], [sflag:$0x1] =	stream.indirect_vreg.gather [hbm4b:s5+s3], $0x80, v4, vm0, $0xb8;
	[tilespmem:$0x1DC00] =	vst v63  }
0x5d: {  	s25 =	simm.s32 $0x6C00  }
0x5e: {  	[tilespmem:s25], [sflag:$0x1] =	stream.indirect_vreg.gather [hbm4b:s1+s3], $0x80, v3, vm0, $0xb8;
	[tilespmem:$0x1DC00] =	vst v63  }
0x5f: {  	s30 =	simm.s32 $0x7400  }
0x60: {  	[tilespmem:s30], [sflag:$0x1] =	stream.indirect_vreg.gather [hbm4b:s5+s3], $0x80, v3, vm0, $0xb8;
	[tilespmem:$0x1DC00] =	vst v63  }
0x61: {  	v3 =	vld.msk [tilespmem:$0x30], $0xff;
	_ =	sdelay $0x4  }
0x62: {  	v63 =	vshll.u32 v3, $0x2  }
0x63: {  	v3 =	vand.u32 $0x7, v3;
	v4 =	vand.u32 $0xFFFFFFE0, v63  }
0x64: {  	v3 =	vor.u32 v3, v4  }
0x65: {  	v3 =	vperm.xlane v3, v0;
	_ =	sdelay $0x1  }
0x66: {  	v3 =	vadd.s32 v1, v3;
	_ =	sdelay $0x2  }
.Ltmp2:
0x67: {  	_ = 	snop;
	(pc) =	sbr.rel .LBB2_2-.Ltmp2, $4  }
0x68: {  	_ = 	snop  }
0x69: {  	[tilespmem:s26], [sflag:$0x1] =	stream.indirect_vreg.gather [hbm4b:s1+s3], $0x80, v3, vm0, $0xb8;
	[tilespmem:$0x1DC00] =	vst v63  }
0x6a: {  	s2 =	simm.s32 $0x90;
	s13 =	simm.s32 $0x0  }
0x6b: {  	[tilespmem:s28], [sflag:$0x1] =	stream.indirect_vreg.gather [hbm4b:s5+s3], $0x80, v3, vm0, $0xb8;
	[tilespmem:$0x1DC00] =	vst v63  }
.LBB2_4:
0x6c: {  	_ =	swait.ge [sflag:s17], $0x7000  }
0x6d: {  	[sflag:s17] =	ssyncset.done $0x0  }
0x6e: {  	s15 =	sadd.s32 $0x2A00, s15;
	[sflag:s17] =	ssyncadd.s32 $0xFFFF9000  }
0x6f: {  	[hbm4b:s15+s3] =	stream.linear.scatter [tilespmem:s31], [sflag:$0x8], $0x6000, $0x38;
	[tilespmem:$0x1DC00] =	vst v63  }
0x70: {  	s30 =	sadd.s32 s13, s11;
	s13 =	sadd.s32 $0x3800, s13  }
0x71: {  	[hbm4b:s30+s3] =	stream.linear.scatter [tilespmem:s0], [sflag:$0x8], $0x100, $0x38;
	[tilespmem:$0x1DC00] =	vst v63  }
0x72: {  	s14 =	simm.s32 $0x1D000;
	s25 =	sadd.s32 $0x80, s30;
	p0 =	sne.s32 s13, $0x70000  }
0x73: {  	[hbm4b:s25+s3] =	stream.linear.scatter [tilespmem:s14], [sflag:$0x8], $0x100, $0x38;
	[tilespmem:$0x1DC00] =	vst v63  }
.Ltmp3:
0x74: {  	_ = 	snop;
	(pc) =	sbr.rel @!p0 .LBB2_5-.Ltmp3, $4  }
0x75: {  	s14 =	sadd.s32 $0x100, s30  }
0x76: {  	[hbm4b:s14+s3] =	stream.linear.scatter [tilespmem:s4], [sflag:$0x8], $0x100, $0x38;
	[tilespmem:$0x1DC00] =	vst v63  }
0x77: {  	s2 =	sadd.s32 $0xE0, s2;
	s15 =	sadd.s32 $0x180, s30;
	s30 =	simm.s32 $0x1D800  }
0x78: {  	[hbm4b:s15+s3] =	stream.linear.scatter [tilespmem:s30], [sflag:$0x8], $0x100, $0x38;
	[tilespmem:$0x1DC00] =	vst v63  }
.LBB2_2:
0x79: {  	p0 =	seq.s32 s13, $0x0  }
0x7a: {  	s15 =	simm.s32 @!p0 $0x6  }
0x7b: {  	_ =	swait.ge @!p0 [sflag:s15], $0x6000  }
0x7c: {  	[sflag:s15] =	ssyncset.done @!p0 $0x0  }
0x7d: {  	[sflag:s15] =	ssyncadd.s32 @!p0 $0xFFFFA000  }
0x7e: {  	_ =	swait.ge @!p0 [sflag:s15], $0x400  }
0x7f: {  	[sflag:s15] =	ssyncset.done @!p0 $0x0  }
0x80: {  	[sflag:s15] =	ssyncadd.s32 @!p0 $0xFFFFFC00  }
0x81: {  	v3 =	vld [tilespmem:s2+$0xFFFFFFA8];
	_ =	sdelay $0x4  }
0x82: {  	v4 =	vshll.u32 v3, $0x2  }
0x83: {  	v3 =	vand.u32 $0x7, v3;
	v4 =	vand.u32 $0xFFFFFFE0, v4  }
0x84: {  	v3 =	vor.u32 v3, v4  }
0x85: {  	v4 =	vperm.xlane v3, v0;
	_ =	sdelay $0x1  }
0x86: {  	v4 =	vadd.s32 v1, v4;
	_ =	sdelay $0x1  }
0x87: {  	v3 =	vperm.xlane v3, v2;
	_ =	sdelay $0x1  }
0x88: {  	v3 =	vadd.s32 v1, v3  }
0x89: {  	[tilespmem:s29], [sflag:$0x2] =	stream.indirect_vreg.gather [hbm4b:s1+s3], $0x80, v4, vm0, $0xb8;
	[tilespmem:$0x1DC00] =	vst v63  }
0x8a: {  	s14 =	simm.s32 $0x9400  }
0x8b: {  	[tilespmem:s14], [sflag:$0x2] =	stream.indirect_vreg.gather [hbm4b:s5+s3], $0x80, v4, vm0, $0xb8;
	[tilespmem:$0x1DC00] =	vst v63  }
0x8c: {  	s25 =	simm.s32 $0x9C00  }
0x8d: {  	[tilespmem:s25], [sflag:$0x2] =	stream.indirect_vreg.gather [hbm4b:s1+s3], $0x80, v3, vm0, $0xb8;
	[tilespmem:$0x1DC00] =	vst v63  }
0x8e: {  	s30 =	simm.s32 $0xA400  }
0x8f: {  	[tilespmem:s30], [sflag:$0x2] =	stream.indirect_vreg.gather [hbm4b:s5+s3], $0x80, v3, vm0, $0xb8;
	[tilespmem:$0x1DC00] =	vst v63  }
0x90: {  	v3 =	vld [tilespmem:s2+$0xFFFFFFB8];
	_ =	sdelay $0x4  }
0x91: {  	v53 =	vshll.u32 v3, $0x2  }
0x92: {  	v3 =	vand.u32 $0x7, v3;
	v4 =	vand.u32 $0xFFFFFFE0, v53  }
0x93: {  	v3 =	vor.u32 v3, v4  }
0x94: {  	v4 =	vperm.xlane v3, v0;
	_ =	sdelay $0x1  }
0x95: {  	v4 =	vadd.s32 v1, v4;
	_ =	sdelay $0x1  }
0x96: {  	v3 =	vperm.xlane v3, v2;
	_ =	sdelay $0x1  }
0x97: {  	s14 =	simm.s32 $0xAC00;
	v3 =	vadd.s32 v1, v3  }
0x98: {  	[tilespmem:s14], [sflag:$0x2] =	stream.indirect_vreg.gather [hbm4b:s1+s3], $0x80, v4, vm0, $0xb8;
	[tilespmem:$0x1DC00] =	vst v63  }
0x99: {  	s25 =	simm.s32 $0xB400  }
0x9a: {  	[tilespmem:s25], [sflag:$0x2] =	stream.indirect_vreg.gather [hbm4b:s5+s3], $0x80, v4, vm0, $0xb8;
	[tilespmem:$0x1DC00] =	vst v63  }
0x9b: {  	s30 =	simm.s32 $0xBC00  }
0x9c: {  	[tilespmem:s30], [sflag:$0x2] =	stream.indirect_vreg.gather [hbm4b:s1+s3], $0x80, v3, vm0, $0xb8;
	[tilespmem:$0x1DC00] =	vst v63  }
0x9d: {  	s14 =	simm.s32 $0xC400  }
0x9e: {  	[tilespmem:s14], [sflag:$0x2] =	stream.indirect_vreg.gather [hbm4b:s5+s3], $0x80, v3, vm0, $0xb8;
	[tilespmem:$0x1DC00] =	vst v63  }
0x9f: {  	v3 =	vld [tilespmem:s2+$0xFFFFFFC8];
	_ =	sdelay $0x4  }
0xa0: {  	v54 =	vshll.u32 v3, $0x2  }
0xa1: {  	v3 =	vand.u32 $0x7, v3;
	v4 =	vand.u32 $0xFFFFFFE0, v54  }
0xa2: {  	v3 =	vor.u32 v3, v4  }
0xa3: {  	v4 =	vperm.xlane v3, v0;
	_ =	sdelay $0x1  }
0xa4: {  	v4 =	vadd.s32 v1, v4;
	_ =	sdelay $0x1  }
0xa5: {  	v3 =	vperm.xlane v3, v2;
	_ =	sdelay $0x1  }
0xa6: {  	s25 =	simm.s32 $0xCC00;
	v3 =	vadd.s32 v1, v3  }
0xa7: {  	[tilespmem:s25], [sflag:$0x2] =	stream.indirect_vreg.gather [hbm4b:s1+s3], $0x80, v4, vm0, $0xb8;
	[tilespmem:$0x1DC00] =	vst v63  }
0xa8: {  	s30 =	simm.s32 $0xD400  }
0xa9: {  	[tilespmem:s30], [sflag:$0x2] =	stream.indirect_vreg.gather [hbm4b:s5+s3], $0x80, v4, vm0, $0xb8;
	[tilespmem:$0x1DC00] =	vst v63  }
0xaa: {  	s14 =	simm.s32 $0xDC00  }
0xab: {  	[tilespmem:s14], [sflag:$0x2] =	stream.indirect_vreg.gather [hbm4b:s1+s3], $0x80, v3, vm0, $0xb8;
	[tilespmem:$0x1DC00] =	vst v63  }
0xac: {  	s25 =	simm.s32 $0xE400  }
0xad: {  	[tilespmem:s25], [sflag:$0x2] =	stream.indirect_vreg.gather [hbm4b:s5+s3], $0x80, v3, vm0, $0xb8;
	[tilespmem:$0x1DC00] =	vst v63  }
0xae: {  	v3 =	vld.msk [tilespmem:s2+$0xFFFFFFD8], $0xff;
	_ =	sdelay $0x4  }
0xaf: {  	v55 =	vshll.u32 v3, $0x2  }
0xb0: {  	v3 =	vand.u32 $0x7, v3;
	v4 =	vand.u32 $0xFFFFFFE0, v55  }
0xb1: {  	v3 =	vor.u32 v3, v4  }
0xb2: {  	v3 =	vperm.xlane v3, v0;
	_ =	sdelay $0x1  }
0xb3: {  	v3 =	vadd.s32 v1, v3;
	_ =	sdelay $0x4  }
0xb4: {  	[tilespmem:s19], [sflag:$0x2] =	stream.indirect_vreg.gather [hbm4b:s1+s3], $0x80, v3, vm0, $0xb8;
	[tilespmem:$0x1DC00] =	vst v63  }
0xb5: {  	_ = 	snop  }
0xb6: {  	[tilespmem:s20], [sflag:$0x2] =	stream.indirect_vreg.gather [hbm4b:s5+s3], $0x80, v3, vm0, $0xb8;
	[tilespmem:$0x1DC00] =	vst v63  }
0xb7: {  	_ =	swait.ge [sflag:s21], $0x7000  }
0xb8: {  	[sflag:s21] =	ssyncset.done $0x0  }
0xb9: {  	s30 =	sadd.s32 s13, s10;
	s14 =	simm.s32 $0x1C00;
	[sflag:s21] =	ssyncadd.s32 $0xFFFF9000  }
0xba: {  	[hbm4b:s30+s3] =	stream.linear.scatter [tilespmem:s14], [sflag:$0x5], $0x6000, $0x38;
	[tilespmem:$0x1DC00] =	vst v63  }
0xbb: {  	s15 =	sadd.s32 s13, s9  }
0xbc: {  	[hbm4b:s15+s3] =	stream.linear.scatter [tilespmem:s26], [sflag:$0x5], $0x100, $0x38;
	[tilespmem:$0x1DC00] =	vst v63  }
0xbd: {  	s25 =	sadd.s32 $0x80, s15;
	s30 =	simm.s32 $0x8000  }
0xbe: {  	[hbm4b:s25+s3] =	stream.linear.scatter [tilespmem:s30], [sflag:$0x5], $0x100, $0x38;
	[tilespmem:$0x1DC00] =	vst v63  }
0xbf: {  	s14 =	sadd.s32 $0x100, s15  }
0xc0: {  	[hbm4b:s14+s3] =	stream.linear.scatter [tilespmem:s28], [sflag:$0x5], $0x100, $0x38;
	[tilespmem:$0x1DC00] =	vst v63  }
0xc1: {  	s15 =	sadd.s32 $0x180, s15;
	s30 =	simm.s32 $0x8800  }
0xc2: {  	[hbm4b:s15+s3] =	stream.linear.scatter [tilespmem:s30], [sflag:$0x5], $0x100, $0x38;
	[tilespmem:$0x1DC00] =	vst v63  }
0xc3: {  	s15 =	simm.s32 @!p0 $0x7  }
0xc4: {  	_ =	swait.ge @!p0 [sflag:s15], $0x6000  }
0xc5: {  	[sflag:s15] =	ssyncset.done @!p0 $0x0  }
0xc6: {  	[sflag:s15] =	ssyncadd.s32 @!p0 $0xFFFFA000  }
0xc7: {  	_ =	swait.ge @!p0 [sflag:s15], $0x400  }
0xc8: {  	[sflag:s15] =	ssyncset.done @!p0 $0x0  }
0xc9: {  	[sflag:s15] =	ssyncadd.s32 @!p0 $0xFFFFFC00  }
0xca: {  	v3 =	vld [tilespmem:s2+$0xFFFFFFE0];
	_ =	sdelay $0x4  }
0xcb: {  	v56 =	vshll.u32 v3, $0x2  }
0xcc: {  	v3 =	vand.u32 $0x7, v3;
	v4 =	vand.u32 $0xFFFFFFE0, v56  }
0xcd: {  	v3 =	vor.u32 v3, v4  }
0xce: {  	v4 =	vperm.xlane v3, v0;
	_ =	sdelay $0x1  }
0xcf: {  	v4 =	vadd.s32 v1, v4;
	_ =	sdelay $0x1  }
0xd0: {  	v3 =	vperm.xlane v3, v2;
	_ =	sdelay $0x1  }
0xd1: {  	v3 =	vadd.s32 v1, v3  }
0xd2: {  	[tilespmem:s24], [sflag:$0x3] =	stream.indirect_vreg.gather [hbm4b:s1+s3], $0x80, v4, vm0, $0xb8;
	[tilespmem:$0x1DC00] =	vst v63  }
0xd3: {  	s14 =	simm.s32 $0x10400  }
0xd4: {  	[tilespmem:s14], [sflag:$0x3] =	stream.indirect_vreg.gather [hbm4b:s5+s3], $0x80, v4, vm0, $0xb8;
	[tilespmem:$0x1DC00] =	vst v63  }
0xd5: {  	s25 =	simm.s32 $0x10C00  }
0xd6: {  	[tilespmem:s25], [sflag:$0x3] =	stream.indirect_vreg.gather [hbm4b:s1+s3], $0x80, v3, vm0, $0xb8;
	[tilespmem:$0x1DC00] =	vst v63  }
0xd7: {  	s30 =	simm.s32 $0x11400  }
0xd8: {  	[tilespmem:s30], [sflag:$0x3] =	stream.indirect_vreg.gather [hbm4b:s5+s3], $0x80, v3, vm0, $0xb8;
	[tilespmem:$0x1DC00] =	vst v63  }
0xd9: {  	v3 =	vld [tilespmem:s2+$0xFFFFFFF0];
	_ =	sdelay $0x4  }
0xda: {  	v57 =	vshll.u32 v3, $0x2  }
0xdb: {  	v3 =	vand.u32 $0x7, v3;
	v4 =	vand.u32 $0xFFFFFFE0, v57  }
0xdc: {  	v3 =	vor.u32 v3, v4  }
0xdd: {  	v4 =	vperm.xlane v3, v0;
	_ =	sdelay $0x1  }
0xde: {  	v4 =	vadd.s32 v1, v4;
	_ =	sdelay $0x1  }
0xdf: {  	v3 =	vperm.xlane v3, v2;
	_ =	sdelay $0x1  }
0xe0: {  	s14 =	simm.s32 $0x11C00;
	v3 =	vadd.s32 v1, v3  }
0xe1: {  	[tilespmem:s14], [sflag:$0x3] =	stream.indirect_vreg.gather [hbm4b:s1+s3], $0x80, v4, vm0, $0xb8;
	[tilespmem:$0x1DC00] =	vst v63  }
0xe2: {  	s25 =	simm.s32 $0x12400  }
0xe3: {  	[tilespmem:s25], [sflag:$0x3] =	stream.indirect_vreg.gather [hbm4b:s5+s3], $0x80, v4, vm0, $0xb8;
	[tilespmem:$0x1DC00] =	vst v63  }
0xe4: {  	s30 =	simm.s32 $0x12C00  }
0xe5: {  	[tilespmem:s30], [sflag:$0x3] =	stream.indirect_vreg.gather [hbm4b:s1+s3], $0x80, v3, vm0, $0xb8;
	[tilespmem:$0x1DC00] =	vst v63  }
0xe6: {  	s14 =	simm.s32 $0x13400  }
0xe7: {  	[tilespmem:s14], [sflag:$0x3] =	stream.indirect_vreg.gather [hbm4b:s5+s3], $0x80, v3, vm0, $0xb8;
	[tilespmem:$0x1DC00] =	vst v63  }
0xe8: {  	v3 =	vld [tilespmem:s2+$0x0];
	_ =	sdelay $0x4  }
0xe9: {  	v58 =	vshll.u32 v3, $0x2  }
0xea: {  	v3 =	vand.u32 $0x7, v3;
	v4 =	vand.u32 $0xFFFFFFE0, v58  }
0xeb: {  	v3 =	vor.u32 v3, v4  }
0xec: {  	v4 =	vperm.xlane v3, v0;
	_ =	sdelay $0x1  }
0xed: {  	v4 =	vadd.s32 v1, v4;
	_ =	sdelay $0x1  }
0xee: {  	v3 =	vperm.xlane v3, v2;
	_ =	sdelay $0x1  }
0xef: {  	s25 =	simm.s32 $0x13C00;
	v3 =	vadd.s32 v1, v3  }
0xf0: {  	[tilespmem:s25], [sflag:$0x3] =	stream.indirect_vreg.gather [hbm4b:s1+s3], $0x80, v4, vm0, $0xb8;
	[tilespmem:$0x1DC00] =	vst v63  }
0xf1: {  	s30 =	simm.s32 $0x14400  }
0xf2: {  	[tilespmem:s30], [sflag:$0x3] =	stream.indirect_vreg.gather [hbm4b:s5+s3], $0x80, v4, vm0, $0xb8;
	[tilespmem:$0x1DC00] =	vst v63  }
0xf3: {  	s14 =	simm.s32 $0x14C00  }
0xf4: {  	[tilespmem:s14], [sflag:$0x3] =	stream.indirect_vreg.gather [hbm4b:s1+s3], $0x80, v3, vm0, $0xb8;
	[tilespmem:$0x1DC00] =	vst v63  }
0xf5: {  	s25 =	simm.s32 $0x15400  }
0xf6: {  	[tilespmem:s25], [sflag:$0x3] =	stream.indirect_vreg.gather [hbm4b:s5+s3], $0x80, v3, vm0, $0xb8;
	[tilespmem:$0x1DC00] =	vst v63  }
0xf7: {  	v3 =	vld.msk [tilespmem:s2+$0x10], $0xff;
	_ =	sdelay $0x4  }
0xf8: {  	v59 =	vshll.u32 v3, $0x2  }
0xf9: {  	v3 =	vand.u32 $0x7, v3;
	v4 =	vand.u32 $0xFFFFFFE0, v59  }
0xfa: {  	v3 =	vor.u32 v3, v4  }
0xfb: {  	v3 =	vperm.xlane v3, v0;
	_ =	sdelay $0x1  }
0xfc: {  	v3 =	vadd.s32 v1, v3;
	_ =	sdelay $0x4  }
0xfd: {  	[tilespmem:s18], [sflag:$0x3] =	stream.indirect_vreg.gather [hbm4b:s1+s3], $0x80, v3, vm0, $0xb8;
	[tilespmem:$0x1DC00] =	vst v63  }
0xfe: {  	_ = 	snop  }
0xff: {  	[tilespmem:s22], [sflag:$0x3] =	stream.indirect_vreg.gather [hbm4b:s5+s3], $0x80, v3, vm0, $0xb8;
	[tilespmem:$0x1DC00] =	vst v63  }
0x100: {  	_ =	swait.ge [sflag:s23], $0x7000  }
0x101: {  	s15 =	sadd.s32 s13, s7;
	[sflag:s23] =	ssyncset.done $0x0  }
0x102: {  	s30 =	sadd.s32 $0xE00, s15;
	[sflag:s23] =	ssyncadd.s32 $0xFFFF9000  }
0x103: {  	[hbm4b:s30+s3] =	stream.linear.scatter [tilespmem:s29], [sflag:$0x6], $0x6000, $0x38;
	[tilespmem:$0x1DC00] =	vst v63  }
0x104: {  	s25 =	sadd.s32 s13, s8  }
0x105: {  	[hbm4b:s25+s3] =	stream.linear.scatter [tilespmem:s19], [sflag:$0x6], $0x100, $0x38;
	[tilespmem:$0x1DC00] =	vst v63  }
0x106: {  	s14 =	simm.s32 $0xF000;
	s30 =	sadd.s32 $0x80, s25  }
0x107: {  	[hbm4b:s30+s3] =	stream.linear.scatter [tilespmem:s14], [sflag:$0x6], $0x100, $0x38;
	[tilespmem:$0x1DC00] =	vst v63  }
0x108: {  	s14 =	sadd.s32 $0x100, s25  }
0x109: {  	[hbm4b:s14+s3] =	stream.linear.scatter [tilespmem:s20], [sflag:$0x6], $0x100, $0x38;
	[tilespmem:$0x1DC00] =	vst v63  }
0x10a: {  	s25 =	sadd.s32 $0x180, s25;
	s30 =	simm.s32 $0xF800  }
0x10b: {  	[hbm4b:s25+s3] =	stream.linear.scatter [tilespmem:s30], [sflag:$0x6], $0x100, $0x38;
	[tilespmem:$0x1DC00] =	vst v63  }
0x10c: {  	s25 =	simm.s32 @!p0 $0x8  }
0x10d: {  	_ =	swait.ge @!p0 [sflag:s25], $0x6000  }
0x10e: {  	[sflag:s25] =	ssyncset.done @!p0 $0x0  }
0x10f: {  	[sflag:s25] =	ssyncadd.s32 @!p0 $0xFFFFA000  }
0x110: {  	_ =	swait.ge @!p0 [sflag:s25], $0x400  }
0x111: {  	[sflag:s25] =	ssyncset.done @!p0 $0x0  }
0x112: {  	[sflag:s25] =	ssyncadd.s32 @!p0 $0xFFFFFC00  }
0x113: {  	v3 =	vld [tilespmem:s2+$0x18];
	_ =	sdelay $0x4  }
0x114: {  	v60 =	vshll.u32 v3, $0x2  }
0x115: {  	v3 =	vand.u32 $0x7, v3;
	v4 =	vand.u32 $0xFFFFFFE0, v60  }
0x116: {  	v3 =	vor.u32 v3, v4  }
0x117: {  	v4 =	vperm.xlane v3, v0;
	_ =	sdelay $0x1  }
0x118: {  	v4 =	vadd.s32 v1, v4;
	_ =	sdelay $0x1  }
0x119: {  	v3 =	vperm.xlane v3, v2;
	_ =	sdelay $0x1  }
0x11a: {  	v3 =	vadd.s32 v1, v3  }
0x11b: {  	[tilespmem:s31], [sflag:$0x4] =	stream.indirect_vreg.gather [hbm4b:s1+s3], $0x80, v4, vm0, $0xb8;
	[tilespmem:$0x1DC00] =	vst v63  }
0x11c: {  	s25 =	simm.s32 $0x17400  }
0x11d: {  	[tilespmem:s25], [sflag:$0x4] =	stream.indirect_vreg.gather [hbm4b:s5+s3], $0x80, v4, vm0, $0xb8;
	[tilespmem:$0x1DC00] =	vst v63  }
0x11e: {  	s30 =	simm.s32 $0x17C00  }
0x11f: {  	[tilespmem:s30], [sflag:$0x4] =	stream.indirect_vreg.gather [hbm4b:s1+s3], $0x80, v3, vm0, $0xb8;
	[tilespmem:$0x1DC00] =	vst v63  }
0x120: {  	s25 =	simm.s32 $0x18400  }
0x121: {  	[tilespmem:s25], [sflag:$0x4] =	stream.indirect_vreg.gather [hbm4b:s5+s3], $0x80, v3, vm0, $0xb8;
	[tilespmem:$0x1DC00] =	vst v63  }
0x122: {  	v3 =	vld [tilespmem:s2+$0x28];
	_ =	sdelay $0x4  }
0x123: {  	v61 =	vshll.u32 v3, $0x2  }
0x124: {  	v3 =	vand.u32 $0x7, v3;
	v4 =	vand.u32 $0xFFFFFFE0, v61  }
0x125: {  	v3 =	vor.u32 v3, v4  }
0x126: {  	v4 =	vperm.xlane v3, v0;
	_ =	sdelay $0x1  }
0x127: {  	v4 =	vadd.s32 v1, v4;
	_ =	sdelay $0x1  }
0x128: {  	v3 =	vperm.xlane v3, v2;
	_ =	sdelay $0x1  }
0x129: {  	s30 =	simm.s32 $0x18C00;
	v3 =	vadd.s32 v1, v3  }
0x12a: {  	[tilespmem:s30], [sflag:$0x4] =	stream.indirect_vreg.gather [hbm4b:s1+s3], $0x80, v4, vm0, $0xb8;
	[tilespmem:$0x1DC00] =	vst v63  }
0x12b: {  	s25 =	simm.s32 $0x19400  }
0x12c: {  	[tilespmem:s25], [sflag:$0x4] =	stream.indirect_vreg.gather [hbm4b:s5+s3], $0x80, v4, vm0, $0xb8;
	[tilespmem:$0x1DC00] =	vst v63  }
0x12d: {  	s30 =	simm.s32 $0x19C00  }
0x12e: {  	[tilespmem:s30], [sflag:$0x4] =	stream.indirect_vreg.gather [hbm4b:s1+s3], $0x80, v3, vm0, $0xb8;
	[tilespmem:$0x1DC00] =	vst v63  }
0x12f: {  	s25 =	simm.s32 $0x1A400  }
0x130: {  	[tilespmem:s25], [sflag:$0x4] =	stream.indirect_vreg.gather [hbm4b:s5+s3], $0x80, v3, vm0, $0xb8;
	[tilespmem:$0x1DC00] =	vst v63  }
0x131: {  	v3 =	vld [tilespmem:s2+$0x38];
	_ =	sdelay $0x4  }
0x132: {  	v62 =	vshll.u32 v3, $0x2  }
0x133: {  	v3 =	vand.u32 $0x7, v3;
	v4 =	vand.u32 $0xFFFFFFE0, v62  }
0x134: {  	v3 =	vor.u32 v3, v4  }
0x135: {  	v4 =	vperm.xlane v3, v0;
	_ =	sdelay $0x1  }
0x136: {  	v4 =	vadd.s32 v1, v4;
	_ =	sdelay $0x1  }
0x137: {  	v3 =	vperm.xlane v3, v2;
	_ =	sdelay $0x1  }
0x138: {  	s30 =	simm.s32 $0x1AC00;
	v3 =	vadd.s32 v1, v3  }
0x139: {  	[tilespmem:s30], [sflag:$0x4] =	stream.indirect_vreg.gather [hbm4b:s1+s3], $0x80, v4, vm0, $0xb8;
	[tilespmem:$0x1DC00] =	vst v63  }
0x13a: {  	s25 =	simm.s32 $0x1B400  }
0x13b: {  	[tilespmem:s25], [sflag:$0x4] =	stream.indirect_vreg.gather [hbm4b:s5+s3], $0x80, v4, vm0, $0xb8;
	[tilespmem:$0x1DC00] =	vst v63  }
0x13c: {  	s30 =	simm.s32 $0x1BC00  }
0x13d: {  	[tilespmem:s30], [sflag:$0x4] =	stream.indirect_vreg.gather [hbm4b:s1+s3], $0x80, v3, vm0, $0xb8;
	[tilespmem:$0x1DC00] =	vst v63  }
0x13e: {  	s25 =	simm.s32 $0x1C400  }
0x13f: {  	[tilespmem:s25], [sflag:$0x4] =	stream.indirect_vreg.gather [hbm4b:s5+s3], $0x80, v3, vm0, $0xb8;
	[tilespmem:$0x1DC00] =	vst v63  }
0x140: {  	v3 =	vld.msk [tilespmem:s2+$0x48], $0xff;
	_ =	sdelay $0x4  }
0x141: {  	v63 =	vshll.u32 v3, $0x2  }
0x142: {  	v3 =	vand.u32 $0x7, v3;
	v4 =	vand.u32 $0xFFFFFFE0, v63  }
0x143: {  	v3 =	vor.u32 v3, v4  }
0x144: {  	v3 =	vperm.xlane v3, v0;
	_ =	sdelay $0x1  }
0x145: {  	v3 =	vadd.s32 v1, v3;
	_ =	sdelay $0x4  }
0x146: {  	[tilespmem:s0], [sflag:$0x4] =	stream.indirect_vreg.gather [hbm4b:s1+s3], $0x80, v3, vm0, $0xb8;
	[tilespmem:$0x1DC00] =	vst v63  }
0x147: {  	_ = 	snop  }
0x148: {  	[tilespmem:s4], [sflag:$0x4] =	stream.indirect_vreg.gather [hbm4b:s5+s3], $0x80, v3, vm0, $0xb8;
	[tilespmem:$0x1DC00] =	vst v63  }
0x149: {  	_ =	swait.ge [sflag:s6], $0x7000  }
0x14a: {  	[sflag:s6] =	ssyncset.done $0x0  }
0x14b: {  	s30 =	sadd.s32 $0x1C00, s15;
	[sflag:s6] =	ssyncadd.s32 $0xFFFF9000  }
0x14c: {  	[hbm4b:s30+s3] =	stream.linear.scatter [tilespmem:s24], [sflag:$0x7], $0x6000, $0x38;
	[tilespmem:$0x1DC00] =	vst v63  }
0x14d: {  	s25 =	sadd.s32 s13, s12  }
0x14e: {  	[hbm4b:s25+s3] =	stream.linear.scatter [tilespmem:s18], [sflag:$0x7], $0x100, $0x38;
	[tilespmem:$0x1DC00] =	vst v63  }
0x14f: {  	s14 =	simm.s32 $0x16000;
	s30 =	sadd.s32 $0x80, s25  }
0x150: {  	[hbm4b:s30+s3] =	stream.linear.scatter [tilespmem:s14], [sflag:$0x7], $0x100, $0x38;
	[tilespmem:$0x1DC00] =	vst v63  }
0x151: {  	s14 =	sadd.s32 $0x100, s25  }
0x152: {  	[hbm4b:s14+s3] =	stream.linear.scatter [tilespmem:s22], [sflag:$0x7], $0x100, $0x38;
	[tilespmem:$0x1DC00] =	vst v63  }
0x153: {  	s25 =	sadd.s32 $0x180, s25;
	s30 =	simm.s32 $0x16800  }
0x154: {  	[hbm4b:s25+s3] =	stream.linear.scatter [tilespmem:s30], [sflag:$0x7], $0x100, $0x38;
	[tilespmem:$0x1DC00] =	vst v63  }
0x155: {  	p0 =	seq.s32 s13, $0x6C800;
	_ =	swait.ge [sflag:s16], $0x6000  }
.Ltmp4:
0x156: {  	[sflag:s16] =	ssyncset.done $0x0;
	(pc) =	sbr.rel @p0 .LBB2_4-.Ltmp4, $4  }
0x157: {  	[sflag:s16] =	ssyncadd.s32 $0xFFFFA000  }
0x158: {  	_ =	swait.ge [sflag:s16], $0x400  }
0x159: {  	[sflag:s16] =	ssyncset.done $0x0  }
0x15a: {  	[sflag:s16] =	ssyncadd.s32 $0xFFFFFC00  }
0x15b: {  	v3 =	vld [tilespmem:s2+$0x50];
	_ =	sdelay $0x4  }
0x15c: {  	v4 =	vshll.u32 v3, $0x2  }
0x15d: {  	v3 =	vand.u32 $0x7, v3;
	v4 =	vand.u32 $0xFFFFFFE0, v4  }
0x15e: {  	v3 =	vor.u32 v3, v4  }
0x15f: {  	v4 =	vperm.xlane v3, v0;
	_ =	sdelay $0x1  }
0x160: {  	v4 =	vadd.s32 v1, v4;
	_ =	sdelay $0x1  }
0x161: {  	v3 =	vperm.xlane v3, v2;
	_ =	sdelay $0x1  }
0x162: {  	s14 =	simm.s32 $0x1C00;
	v3 =	vadd.s32 v1, v3  }
0x163: {  	[tilespmem:s14], [sflag:$0x1] =	stream.indirect_vreg.gather [hbm4b:s1+s3], $0x80, v4, vm0, $0xb8;
	[tilespmem:$0x1DC00] =	vst v63  }
0x164: {  	s25 =	simm.s32 $0x2400  }
0x165: {  	[tilespmem:s25], [sflag:$0x1] =	stream.indirect_vreg.gather [hbm4b:s5+s3], $0x80, v4, vm0, $0xb8;
	[tilespmem:$0x1DC00] =	vst v63  }
0x166: {  	s14 =	simm.s32 $0x2C00  }
0x167: {  	[tilespmem:s14], [sflag:$0x1] =	stream.indirect_vreg.gather [hbm4b:s1+s3], $0x80, v3, vm0, $0xb8;
	[tilespmem:$0x1DC00] =	vst v63  }
0x168: {  	s30 =	simm.s32 $0x3400  }
0x169: {  	[tilespmem:s30], [sflag:$0x1] =	stream.indirect_vreg.gather [hbm4b:s5+s3], $0x80, v3, vm0, $0xb8;
	[tilespmem:$0x1DC00] =	vst v63  }
0x16a: {  	v3 =	vld [tilespmem:s2+$0x60];
	_ =	sdelay $0x4  }
0x16b: {  	v61 =	vshll.u32 v3, $0x2  }
0x16c: {  	v3 =	vand.u32 $0x7, v3;
	v4 =	vand.u32 $0xFFFFFFE0, v61  }
0x16d: {  	v3 =	vor.u32 v3, v4  }
0x16e: {  	v4 =	vperm.xlane v3, v0;
	_ =	sdelay $0x1  }
0x16f: {  	v4 =	vadd.s32 v1, v4;
	_ =	sdelay $0x1  }
0x170: {  	v3 =	vperm.xlane v3, v2;
	_ =	sdelay $0x1  }
0x171: {  	s14 =	simm.s32 $0x3C00;
	v3 =	vadd.s32 v1, v3  }
0x172: {  	[tilespmem:s14], [sflag:$0x1] =	stream.indirect_vreg.gather [hbm4b:s1+s3], $0x80, v4, vm0, $0xb8;
	[tilespmem:$0x1DC00] =	vst v63  }
0x173: {  	s30 =	simm.s32 $0x4400  }
0x174: {  	[tilespmem:s30], [sflag:$0x1] =	stream.indirect_vreg.gather [hbm4b:s5+s3], $0x80, v4, vm0, $0xb8;
	[tilespmem:$0x1DC00] =	vst v63  }
0x175: {  	s14 =	simm.s32 $0x4C00  }
0x176: {  	[tilespmem:s14], [sflag:$0x1] =	stream.indirect_vreg.gather [hbm4b:s1+s3], $0x80, v3, vm0, $0xb8;
	[tilespmem:$0x1DC00] =	vst v63  }
0x177: {  	s30 =	simm.s32 $0x5400  }
0x178: {  	[tilespmem:s30], [sflag:$0x1] =	stream.indirect_vreg.gather [hbm4b:s5+s3], $0x80, v3, vm0, $0xb8;
	[tilespmem:$0x1DC00] =	vst v63  }
0x179: {  	v3 =	vld [tilespmem:s2+$0x70];
	_ =	sdelay $0x4  }
0x17a: {  	v62 =	vshll.u32 v3, $0x2  }
0x17b: {  	v3 =	vand.u32 $0x7, v3;
	v4 =	vand.u32 $0xFFFFFFE0, v62  }
0x17c: {  	v3 =	vor.u32 v3, v4  }
0x17d: {  	v4 =	vperm.xlane v3, v0;
	_ =	sdelay $0x1  }
0x17e: {  	v4 =	vadd.s32 v1, v4;
	_ =	sdelay $0x1  }
0x17f: {  	v3 =	vperm.xlane v3, v2;
	_ =	sdelay $0x1  }
0x180: {  	s14 =	simm.s32 $0x5C00;
	v3 =	vadd.s32 v1, v3  }
0x181: {  	[tilespmem:s14], [sflag:$0x1] =	stream.indirect_vreg.gather [hbm4b:s1+s3], $0x80, v4, vm0, $0xb8;
	[tilespmem:$0x1DC00] =	vst v63  }
0x182: {  	s30 =	simm.s32 $0x6400  }
0x183: {  	[tilespmem:s30], [sflag:$0x1] =	stream.indirect_vreg.gather [hbm4b:s5+s3], $0x80, v4, vm0, $0xb8;
	[tilespmem:$0x1DC00] =	vst v63  }
0x184: {  	s14 =	simm.s32 $0x6C00  }
0x185: {  	[tilespmem:s14], [sflag:$0x1] =	stream.indirect_vreg.gather [hbm4b:s1+s3], $0x80, v3, vm0, $0xb8;
	[tilespmem:$0x1DC00] =	vst v63  }
0x186: {  	s30 =	simm.s32 $0x7400  }
0x187: {  	[tilespmem:s30], [sflag:$0x1] =	stream.indirect_vreg.gather [hbm4b:s5+s3], $0x80, v3, vm0, $0xb8;
	[tilespmem:$0x1DC00] =	vst v63  }
0x188: {  	v3 =	vld.msk [tilespmem:s2+$0x80], $0xff;
	_ =	sdelay $0x4  }
0x189: {  	v63 =	vshll.u32 v3, $0x2  }
0x18a: {  	v3 =	vand.u32 $0x7, v3;
	v4 =	vand.u32 $0xFFFFFFE0, v63  }
0x18b: {  	v3 =	vor.u32 v3, v4  }
0x18c: {  	v3 =	vperm.xlane v3, v0;
	_ =	sdelay $0x1  }
0x18d: {  	v3 =	vadd.s32 v1, v3;
	_ =	sdelay $0x2  }
.Ltmp5:
0x18e: {  	_ = 	snop;
	(pc) =	sbr.rel .LBB2_4-.Ltmp5, $4  }
0x18f: {  	_ = 	snop  }
0x190: {  	[tilespmem:s26], [sflag:$0x1] =	stream.indirect_vreg.gather [hbm4b:s1+s3], $0x80, v3, vm0, $0xb8;
	[tilespmem:$0x1DC00] =	vst v63  }
0x191: {  	_ = 	snop  }
0x192: {  	[tilespmem:s28], [sflag:$0x1] =	stream.indirect_vreg.gather [hbm4b:s5+s3], $0x80, v3, vm0, $0xb8;
	[tilespmem:$0x1DC00] =	vst v63  }
.LBB2_6:
0x193: {  	_ =	sfence.sel $0x180000  }
0x194: {  	[bflag:$0x0] =	sbarrier.arrive $0xFFFF  }
0x195: {  	_ =	strace $0x90000047  }
0x196: {  	s0 =	stileid.u32;
	[bflag:$0x2] =	sbarrier.arrive $0xFFFF  }
0x197: {  	p0 =	sne.s32 s0, $0x0;
	s0 =	rddreg [dreg:$0x3]  }
0x198: {  	s0 =	sadd.s32 @!p0 $0x100000, s0  }
0x199: {  	[sflag:s0] =	ssyncadd.tile.s32 @!p0 $0x1;
	_ =	shalt  }
.Lfunc_end2:
_tile_overlayer_lowered:
.L_overlay_start_2:
0x19a: {  	(tag) =	ssettag $0x2  }
0x19b: {  	s0 =	rddreg [dreg:$0x0];
	s2 =	stileid.u32  }
0x19c: {  	s1 =	rddreg [dreg:$0x1];
	p0 =	sne.s32 s2, $0x0  }
0x19d: {  	s3 =	rddreg [dreg:$0x2];
	[bflag:$0x3] =	sbarrier.arrive $0xFFFF;
	s2 =	simm.s32 @!p0 $0x1C09  }
0x19e: {  	[timem:s3], [sflag:s2] =	dma.local @!p0 [hbm:s0], s1  }
0x19f: {  	s0 =	simm.s32 @!p0 $0x9  }
0x1a0: {  	_ =	swait.ge @!p0 [sflag:s0], s1  }
0x1a1: {  	s1 =	ssub.s32 @!p0 $0x0, s1;
	[sflag:s0] =	ssyncset.done @!p0 $0x0  }
0x1a2: {  	[sflag:s0] =	ssyncadd.s32 @!p0 s1  }
0x1a3: {  	[bflag:$0x3] =	sbarrier.arrive $0xFFFF  }
0x1a4: {  	_ =	shalt  }

// kernel: sparse-core-data-format-call.cloned.1.call-start
scs
called_computation_lowered:
.L_overlay_start_0:
0x0: {  	s2 =	sld [smem:$0x3FD9]  }
0x1: {  	s3 =	sld [smem:$0x3FFE];
	_ =	sdelay $0x1  }
0x2: {  	s1 =	srdreg.scid  }
0x3: {  	s0 =	sand.u32 $0x1, s1  }
0x4: {  	s18 =	sshll.u32 s0, $0xA;
	s2 =	sadd.s32 s3, s2  }
0x5: {  	s2 =	sadd.s32 s2, s18  }
0x6: {  	[smem:$0x3FC6] =	sst s2  }
0x7: {  	_ = 	snop  }
0x8: {  	s2 =	sld [smem:$0x3FD0];
	(tm) =	ssettm $0x1  }
0x9: {  	s19 =	sld [smem:$0x3FFB];
	_ =	sdelay $0x3  }
0xa: {  	_ =	strace s19  }
0xb: {  	s3 =	sld [smem:$0x3FFC];
	_ =	sdelay $0x3  }
0xc: {  	_ =	strace s3  }
0xd: {  	s3 =	sld [smem:$0x3FFD];
	_ =	sdelay $0x3  }
0xe: {  	_ =	strace s3  }
0xf: {  	_ =	strace $0x8FFFFFFF  }
0x10: {  	s20 =	sld [smem:$0x3FDB];
	_ =	sdelay $0x1  }
0x11: {  	s4 =	simm.s32 $_scs_section_size  }
0x12: {  	s5 =	simm.s32 $_size__tile_overlayer_lowered;
	s6 =	simm.s32 $_tile_overlayer_lowered  }
0x13: {  	s23 =	simm.s32 $0x1BFF;
	s22 =	sshll.u32 s6, $0x1;
	s3 =	sadd.s32 s4, s20  }
0x14: {  	s7 =	simm.s32 $0x0;
	s21 =	sshll.u32 s5, $0x1;
	s5 =	sadd.s32 s22, s3  }
0x15: {  	[timem:s7], [sflag:s23] =	dma.local [hbm:s5], s21  }
0x16: {  	_ =	swait.ge [sflag:s23], s21  }
0x17: {  	s4 =	ssub.s32 $0x0, s21;
	[sflag:s23] =	ssyncset.done $0x0  }
0x18: {  	[sflag:s23] =	ssyncadd.s32 s4;
	_ =	sdelay $0x1  }
0x19: {  	s24 =	simm.s32 $0x1B8B  }
0x1a: {  	_ =	swait.ge [sflag:s24], $0x1  }
0x1b: {  	[sflag:s24] =	ssyncset.done $0x0  }
0x1c: {  	s26 =	simm.s32 $0x1B8E;
	s25 =	sld [smem:$0x3FFE];
	[sflag:s24] =	ssyncadd.s32 $0xFFFFFFFF  }
0x1d: {  	s27 =	simm.s32 $execute0_lowered;
	[smem:$0x3FD2] =	sst s26  }
0x1e: {  	s5 =	sshll.u32 s27, $0x1;
	_ =	strace $0x80000049;
	[dreg:$0x1] =	wrdreg $0xFFFFFFFF  }
0x1f: {  	s28 =	simm.s32 $_size_execute0_lowered;
	s3 =	sadd.s32 s3, s5;
	[dreg:$0x0] =	wrdreg $0x0  }
0x20: {  	s5 =	sshll.u32 s28, $0x1;
	[dreg:$0x2] =	wrdreg s3  }
0x21: {  	[dreg:$0x3] =	wrdreg s5  }
0x22: {  	[dreg:$0x4] =	wrdreg $0xC0  }
0x23: {  	_ =	task [dreg:s7], $0x5FFFF  }
0x24: {  	[dreg:$0x1] =	wrdreg $0xFFFFFFFF  }
0x25: {  	[dreg:$0x0] =	wrdreg $0x60  }
0x26: {  	[dreg:$0x2] =	wrdreg s25  }
0x27: {  	[dreg:$0x3] =	wrdreg s2  }
0x28: {  	[dreg:$0x4] =	wrdreg $0x9  }
0x29: {  	_ =	task.clear_ibuf [dreg:s7], $0x5FFFF;
	_ =	strace $0x90000049  }
0x2a: {  	s29 =	simm.s32 $0x9;
	_ =	strace $0x8000004B  }
0x2b: {  	_ =	swait.ge [sflag:s29], $0x1  }
0x2c: {  	[sflag:s29] =	ssyncadd.s32 $0xFFFFFFFF  }
0x2d: {  	_ =	strace $0x9000004B  }
0x2e: {  	_ =	sfence  }
0x2f: {  	s30 =	sld [smem:$0x0];
	_ =	sdelay $0x2  }
0x30: {  	s31 =	sshll.u32 s1, $0xD;
	s1 =	sshrl.u32 s1, $0x2  }
0x31: {  	s3 =	sand.u32 $0x4000, s31;
	s1 =	sadd.s32 s1, s30  }
0x32: {  	s0 =	sor.u32 s3, s0;
	s1 =	sshll.u32 s1, $0x11  }
0x33: {  	s0 =	sor.u32 s1, s0  }
0x34: {  	s0 =	sadd.s32 $0x8F2B, s0  }
0x35: {  	[sflag:s0] =	ssyncadd.remote.s32 $0x1  }
0x36: {  	_ =	sfence.sel $0xFFFF  }
0x37: {  	[dreg:$0x0] =	wrdreg $0xFFFFFFFF;
	(pc) =	sbr.abs _section_cstart, $3  }
0x38: {  	[dreg:$0x1] =	wrdreg $0xFFFFFFFF  }
0x39: {  	_ =	task.clear_ibuf [dreg:s7], $0x2FFFF;
	_ =	strace $0x9FFFFFFF  }
0x3a: {  	(tm) =	ssettm $0x7FFFFFFF  }
0x3b: {  	_ =	shalt  }
tec
execute0_lowered:
.L_overlay_start_1:
0x0: {  	(tag) =	ssettag $0x1  }
0x1: {  	s0 =	srdreg.scid  }
0x2: {  	s1 =	sshll.u32 s0, $0x4  }
0x3: {  	s6 =	rddreg [dreg:$0x0];
	s0 =	stileid.u32;
	s1 =	sand.u32 $0x10, s1  }
0x4: {  	s3 =	rddreg [dreg:$0x1];
	s1 =	sor.u32 s0, s1  }
0x5: {  	s5 =	simm.s32 $0x1;
	s31 =	simm.s32 $0x2;
	s2 =	sshll.u32 s1, $0x7  }
0x6: {  	s14 =	simm.s32 $0x0;
	s8 =	simm.s32 $0x1000;
	s4 =	ssub.s32 $0x1000, s2  }
0x7: {  	s9 =	simm.s32 $0x0;
	s15 =	simm.s32 $0x0;
	s30 =	sand.u32 $0xF80, s4  }
0x8: {  	s16 =	simm.s32 $0x0;
	s10 =	simm.s32 $0x0;
	p0 =	sne.s32 s30, $0x0  }
.Ltmp0:
0x9: {  	s7 =	sshrl.u32 s4, $0xC;
	s5 =	simm.s32 @!p0 $0x0;
	(pc) =	sbr.rel .LBB1_1-.Ltmp0, $4  }
0xa: {  	s11 =	simm.s32 $0x0;
	s1 =	rddreg [dreg:$0x2];
	s5 =	sadd.s32 s5, s7  }
0xb: {  	_ =	strace $0x8000004A;
	s4 =	simm.s32 $0x1;
	s5 =	smul.u32 $0xC8, s5  }
0xc: {  	s13 =	simm.s32 $0x0;
	s6 =	sadd.s32 $0x800, s6;
	[sflag:s4] =	ssyncpa.u1 $0x0  }
0xd: {  	s12 =	smov.u32 s2;
	[sflag:s31] =	ssyncpa.u1 $0x0;
	s7 =	sor.u32 $0x1, s5  }
.LBB1_4:
0xe: {  	_ =	sdelay $0x3  }
0xf: {  	[tilespmem:v0+s19+$0xFFFFFFD0 ss:$0x1] =	vst.idx.msk $0xffff, v6  }
0x10: {  	v56 =	vld.idx.msk [tilespmem:v1+s18+$0x0 ss:$0x1], $0xffff;
	[tilespmem:v0+s19+$0xFFFFFFE0 ss:$0x1] =	vst.idx.msk $0xffff, v4  }
0x11: {  	v57 =	vld.idx.msk [tilespmem:v1+s18+$0xFFFFFF90 ss:$0x1], $0xffff;
	[tilespmem:v0+s19+$0xFFFFFFF0 ss:$0x1] =	vst.idx.msk $0xffff, v2  }
0x12: {  	v58 =	vld.idx.msk [tilespmem:v1+s18+$0xFFFFFFA0 ss:$0x1], $0xffff;
	[tilespmem:v0+s19+$0x0 ss:$0x1] =	vst.idx.msk $0xffff, v3  }
0x13: {  	v59 =	vld.idx.msk [tilespmem:v1+s18+$0xFFFFFFB0 ss:$0x1], $0xffff;
	[tilespmem:v0+s19+$0x10 ss:$0x1] =	vst.idx.msk $0xffff, v5  }
0x14: {  	v60 =	vld.idx.msk [tilespmem:v1+s18+$0xFFFFFFC0 ss:$0x1], $0xffff;
	[tilespmem:v0+s19+$0x20 ss:$0x1] =	vst.idx.msk $0xffff, v7  }
0x15: {  	v61 =	vld.idx.msk [tilespmem:v1+s18+$0xFFFFFFD0 ss:$0x1], $0xffff;
	s27 =	sshll.u32 s16, $0x9;
	[tilespmem:v0+s18+$0x30 ss:$0x1] =	vst.idx.msk $0xffff, v56  }
0x16: {  	s20 =	sshll.u32 s14, $0x3;
	v62 =	vld.idx.msk [tilespmem:v1+s18+$0xFFFFFFE0 ss:$0x1], $0xffff;
	s28 =	sshll.u32 s16, $0x7;
	s30 =	sand.u32 $0x78, s14;
	[tilespmem:v0+s18+$0xFFFFFFC0 ss:$0x1] =	vst.idx.msk $0xffff, v57  }
0x17: {  	v63 =	vld.idx.msk [tilespmem:v1+s18+$0xFFFFFFF0 ss:$0x1], $0xffff;
	s15 =	sshll.u32 s15, $0x12;
	s19 =	sand.u32 $0x1FF000, s27;
	s20 =	sand.u32 $0x1FFC00, s20;
	[tilespmem:v0+s18+$0xFFFFFFD0 ss:$0x1] =	vst.idx.msk $0xffff, v58  }
0x18: {  	s29 =	sand.u32 $0x200, s28;
	s16 =	sand.u32 $0x180, s28;
	s19 =	sadd.s32 s19, s20;
	[tilespmem:v0+s18+$0xFFFFFFE0 ss:$0x1] =	vst.idx.msk $0xffff, v59  }
0x19: {  	s31 =	sand.u32 $0x7, s14;
	s16 =	sor.u32 s16, s30;
	s19 =	sor.u32 s29, s19;
	[tilespmem:v0+s18+$0xFFFFFFF0 ss:$0x1] =	vst.idx.msk $0xffff, v60  }
0x1a: {  	s15 =	sadd.s32 s3, s15;
	s16 =	sshrl.u32 s16, $0x3;
	s19 =	sshrl.u32 s19, $0x3;
	[tilespmem:v0+s18+$0x0 ss:$0x1] =	vst.idx.msk $0xffff, v61  }
0x1b: {  	s14 =	sshll.u32 s31, $0x12;
	s15 =	sadd.s32 s16, s15;
	[tilespmem:v0+s18+$0x10 ss:$0x1] =	vst.idx.msk $0xffff, v62;
	s19 =	sand.u32 $0x3FFC0, s19  }
0x1c: {  	s14 =	sor.u32 $0x400, s14;
	[tilespmem:v0+s18+$0x20 ss:$0x1] =	vst.idx.msk $0xffff, v63;
	s15 =	sadd.s32 s19, s15  }
0x1d: {  	[hbm4b:s15+s14] =	stream.strided.scatter [tilespmem:s17], [sflag:$0x2], $0x4000, s8, s14, $0x38;
	[tilespmem:$0x10000] =	vst v63  }
.LBB1_5:
0x1e: {  	s17 =	sadd.s32 $0x80, s10  }
0x1f: {  	s14 =	simm.s32 $0x1;
	p1 =	sgt.s32 s17, $0x1FF  }
0x20: {  	s14 =	simm.s32 @!p1 $0x0  }
0x21: {  	s18 =	sadd.s32 s14, s11  }
0x22: {  	s20 =	smov.u32 s12;
	s14 =	sadd.s32 $0x1000, s12;
	p2 =	sgt.s32 s18, $0x31  }
0x23: {  	s20 =	smov.u32 @p2 s14  }
0x24: {  	p0 =	slt.u32 s13, $0x2;
	s17 =	simm.s32 @p1 $0x0;
	p1 =	sgt.s32 s20, $0xFFF  }
0x25: {  	s19 =	simm.s32 @!p0 $0x2;
	s20 =	smov.u32 @p1 s2;
	p1 =	sne.s32 s13, s7  }
.Ltmp1:
0x26: {  	_ =	swait.ge @!p0 [sflag:s19], $0x4000;
	(pc) =	sbr.rel @!p1 .LBB1_6-.Ltmp1, $4  }
0x27: {  	s15 =	smov.u32 s11;
	[sflag:s19] =	ssyncset.done @!p0 $0x0  }
0x28: {  	s16 =	smov.u32 s12;
	s9 =	sadd.s32 $0x4000, s9;
	[sflag:s19] =	ssyncadd.s32 @!p0 $0xFFFFC000  }
0x29: {  	s18 =	simm.s32 @p2 $0x0;
	s14 =	smov.u32 s10;
	s10 =	smov.u32 s17  }
0x2a: {  	s11 =	smov.u32 s18;
	s13 =	sadd.s32 $0x1, s13;
	s12 =	smov.u32 s20  }
.LBB1_1:
0x2b: {  	p0 =	sge.u32 s13, s5  }
0x2c: {  	s17 =	sshll.u32 @!p0 s11, $0x9;
	s18 =	sshll.u32 @!p0 s10, $0x3  }
0x2d: {  	s19 =	sshll.u32 @!p0 s11, $0x7;
	s17 =	sand.u32 @!p0 $0xFFFFF000, s17;
	s18 =	sand.u32 @!p0 $0xFFFFFC00, s18  }
0x2e: {  	s17 =	sadd.s32 @!p0 s17, s18;
	s18 =	sand.u32 @!p0 $0x200, s19  }
0x2f: {  	s17 =	sor.u32 @!p0 s18, s17  }
0x30: {  	s17 =	sshrl.u32 @!p0 s17, $0x9  }
0x31: {  	s31 =	sadd.s32 $0xFFFFFFFF, s13;
	s18 =	smulhi.u32 @!p0 $0x4924925, s17  }
0x32: {  	s20 =	sxor.u32 @!p0 $0xFFFFFFFF, s13;
	s21 =	sand.u32 @!p0 $0x78, s10;
	s22 =	smul.u32 @!p0 $0xE00, s12  }
0x33: {  	s20 =	sshll.u32 @!p0 s20, $0xE;
	s19 =	sand.u32 @!p0 $0x180, s19;
	s18 =	smul.u32 @!p0 $0x38, s18  }
0x34: {  	s20 =	sand.u32 @!p0 $0x4000, s20;
	s19 =	sor.u32 @!p0 s21, s19;
	s21 =	sand.u32 @!p0 $0x7, s10  }
0x35: {  	s17 =	ssub.s32 @!p0 s17, s18;
	s18 =	sshrl.u32 @!p0 s19, $0x3;
	s19 =	sadd.s32 @!p0 s6, s22  }
0x36: {  	s17 =	sshll.u32 @!p0 s17, $0x6;
	s18 =	sadd.s32 @!p0 s18, s19;
	s19 =	sshll.u32 @!p0 s21, $0x12  }
0x37: {  	s17 =	sadd.s32 @!p0 s17, s18;
	s18 =	sor.u32 @!p0 $0x80, s19;
	s19 =	simm.s32 @!p0 $0x7000  }
0x38: {  	[tilespmem:s20], [sflag:$0x1] =	stream.strided.gather @!p0 [hbm4b:s17+s18], $0x4000, s19, s18, $0x38;
	[tilespmem:$0x10000] =	vst v63  }
0x39: {  	p0 =	sge.u32 s31, s5  }
.Ltmp2:
0x3a: {  	_ = 	snop;
	(pc) =	sbr.rel @p0 .LBB1_5-.Ltmp2, $1  }
0x3b: {  	_ =	sdelay $0x3  }
0x3c: {  	s17 =	sand.u32 $0x4000, s9  }
0x3d: {  	s18 =	sor.u32 $0x70, s17  }
0x3e: {  	v1 =	vmov s18;
	_ =	sdelay $0x1  }
0x3f: {  	_ =	swait.ge [sflag:s4], $0x4000  }
0x40: {  	[sflag:s4] =	ssyncset.done $0x0  }
0x41: {  	s19 =	simm.s32 $0x0;
	[sflag:s4] =	ssyncadd.s32 $0xFFFFC000  }
0x42: {  	s17 =	sor.u32 $0x8040, s17;
	v7 =	vld.idx.msk [tilespmem:v1+s19+$0x0 ss:$0x1], $0xffff  }
0x43: {  	v0 =	vmov s17;
	v8 =	vld.idx.msk [tilespmem:v1+s19+$0xFFFFFF90 ss:$0x1], $0xffff  }
0x44: {  	v6 =	vld.idx.msk [tilespmem:v1+s19+$0xFFFFFFA0 ss:$0x1], $0xffff  }
0x45: {  	v4 =	vld.idx.msk [tilespmem:v1+s19+$0xFFFFFFB0 ss:$0x1], $0xffff  }
0x46: {  	v2 =	vld.idx.msk [tilespmem:v1+s19+$0xFFFFFFC0 ss:$0x1], $0xffff  }
0x47: {  	s31 =	sshll.u32 s13, $0xE;
	v3 =	vld.idx.msk [tilespmem:v1+s19+$0xFFFFFFD0 ss:$0x1], $0xffff  }
0x48: {  	s17 =	sand.u32 $0x4000, s31;
	v5 =	vld.idx.msk [tilespmem:v1+s19+$0xFFFFFFE0 ss:$0x1], $0xffff;
	[tilespmem:v0+s19+$0x30 ss:$0x1] =	vst.idx.msk $0xffff, v7  }
0x49: {  	s20 =	simm.s32 $0x400;
	s18 =	simm.s32 $0x80;
	s17 =	sor.u32 $0x8000, s17;
	[tilespmem:v0+s19+$0xFFFFFFC0 ss:$0x1] =	vst.idx.msk $0xffff, v8;
	v7 =	vld.idx.msk [tilespmem:v1+s19+$0xFFFFFFF0 ss:$0x1], $0xffff  }
.LBB1_3:
0x4a: {  	p0 =	sne.s32 s20, $0xFE00;
	v8 =	vld.idx.msk [tilespmem:v1+s18+$0x0 ss:$0x1], $0xffff;
	[tilespmem:v0+s19+$0xFFFFFFD0 ss:$0x1] =	vst.idx.msk $0xffff, v6  }
0x4b: {  	v9 =	vld.idx.msk [tilespmem:v1+s18+$0xFFFFFF90 ss:$0x1], $0xffff;
	[tilespmem:v0+s19+$0xFFFFFFE0 ss:$0x1] =	vst.idx.msk $0xffff, v4  }
0x4c: {  	v6 =	vld.idx.msk [tilespmem:v1+s18+$0xFFFFFFA0 ss:$0x1], $0xffff;
	[tilespmem:v0+s19+$0xFFFFFFF0 ss:$0x1] =	vst.idx.msk $0xffff, v2  }
.Ltmp3:
0x4d: {  	v4 =	vld.idx.msk [tilespmem:v1+s18+$0xFFFFFFB0 ss:$0x1], $0xffff;
	[tilespmem:v0+s19+$0x0 ss:$0x1] =	vst.idx.msk $0xffff, v3;
	(pc) =	sbr.rel @p0 .LBB1_3-.Ltmp3, $4  }
0x4e: {  	v2 =	vld.idx.msk [tilespmem:v1+s18+$0xFFFFFFC0 ss:$0x1], $0xffff;
	[tilespmem:v0+s19+$0x10 ss:$0x1] =	vst.idx.msk $0xffff, v5  }
0x4f: {  	v3 =	vld.idx.msk [tilespmem:v1+s18+$0xFFFFFFD0 ss:$0x1], $0xffff;
	[tilespmem:v0+s19+$0x20 ss:$0x1] =	vst.idx.msk $0xffff, v7;
	s19 =	smov.u32 s18  }
0x50: {  	v5 =	vld.idx.msk [tilespmem:v1+s19+$0xFFFFFFE0 ss:$0x1], $0xffff;
	[tilespmem:v0+s19+$0x30 ss:$0x1] =	vst.idx.msk $0xffff, v8  }
0x51: {  	s18 =	sshra.s32 s20, $0x2;
	s20 =	sadd.s32 $0x200, s20;
	[tilespmem:v0+s19+$0xFFFFFFC0 ss:$0x1] =	vst.idx.msk $0xffff, v9;
	v7 =	vld.idx.msk [tilespmem:v1+s19+$0xFFFFFFF0 ss:$0x1], $0xffff  }
.Ltmp4:
0x52: {  	_ = 	snop;
	(pc) =	sbr.rel .LBB1_4-.Ltmp4, $1  }
0x53: {  	_ =	sdelay $0x3  }
.LBB1_6:
0x54: {  	_ =	sfence.sel $0x180000  }
0x55: {  	s2 =	simm.s32 $0x1;
	[bflag:$0x0] =	sbarrier.arrive $0xFFFF  }
0x56: {  	s31 =	simm.s32 $0x2;
	[sflag:s2] =	ssyncpa.u1 $0x1  }
0x57: {  	[sflag:s31] =	ssyncpa.u1 $0x1  }
0x58: {  	p0 =	sne.s32 s0, $0x0;
	_ =	strace $0x9000004A  }
0x59: {  	s0 =	sadd.s32 @!p0 $0x100000, s1;
	[bflag:$0x2] =	sbarrier.arrive $0xFFFF  }
0x5a: {  	[sflag:s0] =	ssyncadd.tile.s32 @!p0 $0x1;
	_ =	shalt  }
.Lfunc_end1:
_tile_overlayer_lowered:
.L_overlay_start_2:
0x5b: {  	(tag) =	ssettag $0x2  }
0x5c: {  	s0 =	rddreg [dreg:$0x0];
	s2 =	stileid.u32  }
0x5d: {  	s1 =	rddreg [dreg:$0x1];
	p0 =	sne.s32 s2, $0x0  }
0x5e: {  	s3 =	rddreg [dreg:$0x2];
	[bflag:$0x3] =	sbarrier.arrive $0xFFFF;
	s2 =	simm.s32 @!p0 $0x1C01  }
0x5f: {  	[timem:s3], [sflag:s2] =	dma.local @!p0 [hbm:s0], s1  }
0x60: {  	s0 =	simm.s32 @!p0 $0x1  }
0x61: {  	_ =	swait.ge @!p0 [sflag:s0], s1  }
0x62: {  	s1 =	ssub.s32 @!p0 $0x0, s1;
	[sflag:s0] =	ssyncset.done @!p0 $0x0  }
0x63: {  	[sflag:s0] =	ssyncadd.s32 @!p0 s1  }
0x64: {  	[bflag:$0x3] =	sbarrier.arrive $0xFFFF  }
0x65: {  	_ =	shalt  }

</sc_bundles>
